<compile_context>
chip_gen: v7x
topology: tpu7x:2x2x1
jax: 0.10.2.dev20260603
libtpu: 0.0.44.dev20260713+nightly
codegen_flags: <defaults>
</compile_context>

<pallas_src>
import functools

import jax
import jax.numpy as jnp
from jax import lax
from jax.experimental import pallas as pl
from jax.experimental.pallas import tpu as pltpu
from jax.experimental.pallas import tpu_sc as plsc


@functools.cache
def _make_gather(V, E, Ep, T, Bb, C):
    info = plsc.get_sparse_core_info()
    L = info.num_lanes
    num_workers = info.num_cores * info.num_subcores
    per_w = T * Bb // num_workers
    n_chunks = per_w // C
    assert per_w % C == 0 and Bb % per_w == 0
    assert E % L == 0
    wpt = Bb // per_w

    mesh = plsc.VectorSubcoreMesh(core_axis_name="c", subcore_axis_name="s")

    @functools.partial(
        pl.kernel,
        mesh=mesh,
        out_type=jax.ShapeDtypeStruct((T, Bb, E), jnp.float32),
        scratch_types=[
            pltpu.VMEM((per_w,), jnp.int32),
            pltpu.VMEM((2, C, Ep), jnp.float32),
            pltpu.VMEM((2, C, E), jnp.float32),
            pltpu.SemaphoreType.DMA((2,)),
            pltpu.SemaphoreType.DMA((2,)),
        ],
    )
    def gather_kernel(
        table_hbm, idx_hbm, out_hbm, idx_v, rows_v, crows_v, gsem, wsem
    ):
        wid = lax.axis_index("s") * info.num_cores + lax.axis_index("c")
        base = wid * per_w
        t_id = wid // wpt
        b_base = (wid % wpt) * per_w
        pltpu.sync_copy(idx_hbm.at[pl.ds(base, per_w)], idx_v)

        def body(i, carry):
            s = lax.rem(i, 2)

            @pl.when(i >= 2)
            def _():
                pltpu.make_async_copy(
                    crows_v.at[s],
                    out_hbm.at[t_id, pl.ds(b_base + (i - 2) * C, C), :],
                    wsem.at[s],
                ).wait()

            pltpu.async_copy(
                table_hbm.at[idx_v.at[pl.ds(i * C, C)]], rows_v.at[s], gsem.at[s]
            ).wait()

            def compact(r, carry2):
                for e in range(E // L):
                    crows_v[s, r, pl.ds(e * L, L)] = rows_v[s, r, pl.ds(e * L, L)]
                return carry2

            lax.fori_loop(0, C, compact, 0)
            pltpu.make_async_copy(
                crows_v.at[s],
                out_hbm.at[t_id, pl.ds(b_base + i * C, C), :],
                wsem.at[s],
            ).start()
            return carry

        lax.fori_loop(0, n_chunks, body, 0)
        for i in range(max(n_chunks - 2, 0), n_chunks):
            s = i % 2
            pltpu.make_async_copy(
                crows_v.at[s],
                out_hbm.at[t_id, pl.ds(b_base + i * C, C), :],
                wsem.at[s],
            ).wait()

    return gather_kernel


def _head_body(emb_ref, wt_ref, b_ref, out_ref):
    _, vc, bb = out_ref.shape
    acc = (
        lax.dot_general(
            wt_ref[...],
            emb_ref[0],
            dimension_numbers=(((1,), (1,)), ((), ())),
            preferred_element_type=jnp.float32,
        )
        + b_ref[...]
    )
    out_ref[...] = acc.reshape(1, vc, bb)


def _head_body_alias(emb_ref, wt_ref, b_ref, prev_ref, out_ref):
    _head_body(emb_ref, wt_ref, b_ref, out_ref)


@functools.cache
def _make_head_t(T, Tg, s0, Ep, Bb, Vo, VC, BC, alias):
    grid = (Tg, Bb // BC, Vo // VC)
    in_specs = [
        pl.BlockSpec((1, BC, Ep), lambda t, k, j: (t, k, 0)),
        pl.BlockSpec((VC, Ep), lambda t, k, j: (j, 0)),
        pl.BlockSpec((VC, 1), lambda t, k, j: (j, 0)),
    ]
    kwargs = {}
    if alias:
        in_specs.append(pl.BlockSpec(memory_space=pl.ANY))
        kwargs["input_output_aliases"] = {3: 0}
    return pl.pallas_call(
        _head_body_alias if alias else _head_body,
        grid=grid,
        in_specs=in_specs,
        out_specs=pl.BlockSpec((1, VC, BC), lambda t, k, j: (t + s0, j, k)),
        out_shape=jax.ShapeDtypeStruct((T, Vo, Bb), jnp.float32),
        **kwargs,
    )


def kernel(idx, tok_table, pos_table, W, b):
    Bb, T = idx.shape
    V, E = tok_table.shape
    Vo = W.shape[1]
    Ep = 128
    splits = (1, 1, 2, 4)
    assert sum(splits) == T

    tok_p = jnp.pad(tok_table, ((0, 0), (0, Ep - E)))
    Wt = W.T
    bcol = b.reshape(Vo, 1)
    idx_t = idx.T.reshape(-1).astype(jnp.int32)

    embs, s0 = [], 0
    for tg in splits:
        embs.append(
            _make_gather(V, E, Ep, tg, Bb, 128)(
                tok_p, lax.slice(idx_t, (s0 * Bb,), ((s0 + tg) * Bb,))
            )
        )
        s0 += tg
    out_tr, s0 = None, 0
    for i, tg in enumerate(splits):
        if i == 0:
            out_tr = _make_head_t(T, tg, 0, E, Bb, Vo, 200, 8192, False)(
                embs[0], Wt, bcol
            )
        else:
            out_tr = _make_head_t(T, tg, s0, E, Bb, Vo, 200, 8192, True)(
                embs[i], Wt, bcol, out_tr
            )
        s0 += tg
    return jnp.transpose(out_tr, (2, 0, 1))

# --- scband reference (transcript-rebuilt; emitter-appended) ---
"""Pipeline reference for scband-bigram-language-model-84404697301628 (READ-ONLY COPY).

The authoritative reference and input builder live on the scoring server;
editing this copy changes nothing except your own understanding.
"""

import jax, jax.numpy as jnp
import numpy as np

VOCAB_SIZE = 1000
N_EMBED = 32
BLOCK_SIZE = 8
BATCH = 16384


def setup_inputs(seed: int = 0) -> dict:
    key = jax.random.key(seed)
    k1, k2, k3, k4 = jax.random.split(key, 4)
    idx = jax.random.randint(k1, (BATCH, BLOCK_SIZE), 0, VOCAB_SIZE, dtype=jnp.int64 if jax.config.jax_enable_x64 else jnp.int32)
    tok_table = jax.random.normal(k2, (VOCAB_SIZE, N_EMBED), dtype=jnp.float32)
    pos_table = jax.random.normal(k3, (BLOCK_SIZE, N_EMBED), dtype=jnp.float32)
    W = jax.random.normal(k4, (N_EMBED, VOCAB_SIZE), dtype=jnp.float32) * 0.02
    b = jnp.zeros((VOCAB_SIZE,), dtype=jnp.float32)
    return {"idx": idx, "tok_table": tok_table, "pos_table": pos_table, "W": W, "b": b}


def reference(idx, tok_table, pos_table, W, b):
    # token embedding lookup (gather)
    tok_emb = jnp.take(tok_table, idx, axis=0)              # [B, T, n_embed]
    T = idx.shape[1]
    # position embedding lookup (computed but unused downstream,
    # faithful to the original module where logits = lm_head(tok_emb))
    pos_emb = jnp.take(pos_table, jnp.arange(T), axis=0)    # [T, n_embed]
    x = tok_emb + pos_emb                                   # unused, mirrors original bug
    logits = jnp.dot(tok_emb, W) + b                        # [B, T, vocab]
    # targets=None branch: loss is None, return logits only
    return logits

if __name__ == "__main__":
    import jax
    _d = setup_inputs()
    print(jax.jit(kernel)(*tuple(_d.values())))

</pallas_src>

<mosaic_0001>
#map = affine_map<(d0, d1) -> (0, 0)>
#map1 = affine_map<(d0, d1) -> (0)>
#map2 = affine_map<(d0, d1) -> (0, 0, 0)>
module attributes {stable_mosaic.version = 14 : i64} {
  func.func @gather_kernel(%arg0: i32, %arg1: i32, %arg2: memref<1000x128xf32, #tpu.memory_space<hbm>>, %arg3: memref<65536xi32, #tpu.memory_space<hbm>>, %arg4: memref<4x16384x32xf32, #tpu.memory_space<hbm>>, %arg5: memref<2048xi32, #tpu.memory_space<vmem>>, %arg6: memref<2x128x128xf32, #tpu.memory_space<vmem>>, %arg7: memref<2x128x32xf32, #tpu.memory_space<vmem>>, %arg8: memref<2x!tpu.dma_semaphore, #tpu.memory_space<semaphore_mem>>, %arg9: memref<2x!tpu.dma_semaphore, #tpu.memory_space<semaphore_mem>>) attributes {dimension_semantics = [#tpu.dimension_semantics<core_parallel>, #tpu.dimension_semantics<subcore_parallel>], iteration_bounds = array<i64: 2, 16>, scalar_prefetch = 0 : i64, scratch_operands = 5 : i64, tpu.core_type = #tpu.core_type<sc_vector_subcore>, window_params = [{transform_indices = #map}, {transform_indices = #map1}, {transform_indices = #map2}]} {
    %mul3A = arith.constant 2 : i32
    %mul3A_0 = arith.muli %arg1, %mul3A : i32
    %add3A = arith.addi %mul3A_0, %arg0 : i32
    %mul3A_1 = arith.constant 2048 : i32
    %mul3A_2 = arith.muli %add3A, %mul3A_1 : i32
    %jit3A = arith.constant 8 : i32
    %div3A = arith.divsi %add3A, %jit3A : i32
    %sign3A = arith.constant 0 : i32
    %sign3A_3 = arith.cmpi sgt, %add3A, %sign3A : i32
    %sign3A_4 = arith.extui %sign3A_3 : i1 to i32
    %sign3A_5 = arith.constant 0 : i32
    %sign3A_6 = arith.cmpi slt, %add3A, %sign3A_5 : i32
    %sign3A_7 = arith.extui %sign3A_6 : i1 to i32
    %sign3A_8 = arith.subi %sign3A_4, %sign3A_7 : i32
    %sign3A_9 = arith.constant 0 : i32
    %sign3A_10 = arith.cmpi sgt, %jit3A, %sign3A_9 : i32
    %sign3A_11 = arith.extui %sign3A_10 : i1 to i32
    %sign3A_12 = arith.constant 0 : i32
    %sign3A_13 = arith.cmpi slt, %jit3A, %sign3A_12 : i32
    %sign3A_14 = arith.extui %sign3A_13 : i1 to i32
    %sign3A_15 = arith.subi %sign3A_11, %sign3A_14 : i32
    %ne3A = arith.cmpi ne, %sign3A_8, %sign3A_15 : i32
    %rem3A = arith.remsi %add3A, %jit3A : i32
    %ne3A_16 = arith.constant 0 : i32
    %ne3A_17 = arith.cmpi ne, %rem3A, %ne3A_16 : i32
    %and3A = arith.andi %ne3A, %ne3A_17 : i1
    %sub3A = arith.constant 1 : i32
    %sub3A_18 = arith.subi %div3A, %sub3A : i32
    %select_n3A = arith.select %and3A, %sub3A_18, %div3A : i32
    %jit3A_19 = arith.constant 8 : i32
    %eq3A = arith.constant 0 : i32
    %eq3A_20 = arith.cmpi eq, %jit3A_19, %eq3A : i32
    %jit3A_21 = arith.constant 1 : i32
    %select_n3A_22 = arith.select %eq3A_20, %jit3A_21, %jit3A_19 : i32
    %rem3A_23 = arith.remsi %add3A, %select_n3A_22 : i32
    %ne3A_24 = arith.constant 0 : i32
    %ne3A_25 = arith.cmpi ne, %rem3A_23, %ne3A_24 : i32
    %lt3A = arith.constant 0 : i32
    %lt3A_26 = arith.cmpi slt, %rem3A_23, %lt3A : i32
    %lt3A_27 = arith.constant 0 : i32
    %lt3A_28 = arith.cmpi slt, %select_n3A_22, %lt3A_27 : i32
    %ne3A_29 = arith.xori %lt3A_26, %lt3A_28 : i1
    %and3A_30 = arith.andi %ne3A_29, %ne3A_25 : i1
    %add3A_31 = arith.addi %rem3A_23, %select_n3A_22 : i32
    %select_n3A_32 = arith.select %and3A_30, %add3A_31, %rem3A_23 : i32
    %mul3A_33 = arith.constant 2048 : i32
    %mul3A_34 = arith.muli %select_n3A_32, %mul3A_33 : i32
    "tpu.region"() ({
      %run_scoped3A = tpu.sem_alloc : memref<!tpu.dma_semaphore, #tpu.memory_space<semaphore_mem>>
      %dma_start3A = tpu.memref_slice %arg3[%mul3A_2] : memref<65536xi32, #tpu.memory_space<hbm>> -> memref<2048xi32, #tpu.memory_space<hbm>>
      %dma_start3A_79 = tpu.memref_slice %arg3[%mul3A_2] : memref<65536xi32, #tpu.memory_space<hbm>> -> memref<2048xi32, #tpu.memory_space<hbm>>
      tpu.enqueue_dma source(%dma_start3A_79 : memref<2048xi32, #tpu.memory_space<hbm>>) target(%arg5 : memref<2048xi32, #tpu.memory_space<vmem>>) target_semaphore(%run_scoped3A : memref<!tpu.dma_semaphore, #tpu.memory_space<semaphore_mem>>)
      %dma_wait3A_80 = tpu.memref_slice %arg3[%mul3A_2] : memref<65536xi32, #tpu.memory_space<hbm>> -> memref<2048xi32, #tpu.memory_space<hbm>>
      %dma_wait3A_81 = tpu.memref_slice %arg3[%mul3A_2] : memref<65536xi32, #tpu.memory_space<hbm>> -> memref<2048xi32, #tpu.memory_space<hbm>>
      tpu.wait_dma2 semaphore(%run_scoped3A : memref<!tpu.dma_semaphore, #tpu.memory_space<semaphore_mem>>) src(%dma_wait3A_81 : memref<2048xi32, #tpu.memory_space<hbm>>) dst(%arg5 : memref<2048xi32, #tpu.memory_space<vmem>>)
      tpu.yield
    }) : () -> ()
    %scan3A = arith.constant 0 : i32
    %scan3A_35 = arith.constant 0 : i32
    %scan3A_36 = arith.constant 16 : i32
    %scan3A_37 = arith.addi %scan3A_35, %scan3A_36 : i32
    %scan3A_38 = arith.constant 1 : i32
    scf.for %scan3A_79 = %scan3A_35 to %scan3A_37 step %scan3A_38  : i32 {
      %rem3A_80 = arith.constant 2 : i32
      %rem3A_81 = arith.remsi %scan3A_79, %rem3A_80 : i32
      %ge3A = arith.constant 2 : i32
      %ge3A_82 = arith.cmpi sge, %scan3A_79, %ge3A : i32
      %convert_element_type3A = arith.extui %ge3A_82 : i1 to i32
      %cond3A = arith.constant 0 : i32
      %cond3A_83 = arith.cmpi ne, %convert_element_type3A, %cond3A : i32
      scf.if %cond3A_83 {
        %sub3A_130 = arith.constant 2 : i32
        %sub3A_131 = arith.subi %scan3A_79, %sub3A_130 : i32
        %mul3A_132 = arith.constant 128 : i32
        %mul3A_133 = arith.muli %sub3A_131, %mul3A_132 : i32
        %add3A_134 = arith.addi %mul3A_34, %mul3A_133 : i32
        %dma_wait3A_135 = arith.constant 0 : i32
        %dma_wait3A_136 = arith.constant 0 : i32
        %dma_wait3A_137 = tpu.memref_slice %arg7[%rem3A_81, %dma_wait3A_135, %dma_wait3A_136] : memref<2x128x32xf32, #tpu.memory_space<vmem>> -> memref<1x128x32xf32, #tpu.memory_space<vmem>>
        %dma_wait3A_138 = tpu.memref_squeeze %dma_wait3A_137 : memref<1x128x32xf32, #tpu.memory_space<vmem>> -> memref<128x32xf32, #tpu.memory_space<vmem>>
        %dma_wait3A_139 = arith.constant 0 : i32
        %dma_wait3A_140 = tpu.memref_slice %arg4[%select_n3A, %add3A_134, %dma_wait3A_139] : memref<4x16384x32xf32, #tpu.memory_space<hbm>> -> memref<1x128x32xf32, #tpu.memory_space<hbm>>
        %dma_wait3A_141 = tpu.memref_squeeze %dma_wait3A_140 : memref<1x128x32xf32, #tpu.memory_space<hbm>> -> memref<128x32xf32, #tpu.memory_space<hbm>>
        %dma_wait3A_142 = tpu.memref_slice %arg9[%rem3A_81] : memref<2x!tpu.dma_semaphore, #tpu.memory_space<semaphore_mem>> -> memref<1x!tpu.dma_semaphore, #tpu.memory_space<semaphore_mem>>
        %dma_wait3A_143 = tpu.memref_squeeze %dma_wait3A_142 : memref<1x!tpu.dma_semaphore, #tpu.memory_space<semaphore_mem>> -> memref<!tpu.dma_semaphore, #tpu.memory_space<semaphore_mem>>
        %dma_wait3A_144 = arith.constant 0 : i32
        %dma_wait3A_145 = tpu.memref_slice %arg4[%select_n3A, %add3A_134, %dma_wait3A_144] : memref<4x16384x32xf32, #tpu.memory_space<hbm>> -> memref<1x128x32xf32, #tpu.memory_space<hbm>>
        %dma_wait3A_146 = tpu.memref_squeeze %dma_wait3A_145 : memref<1x128x32xf32, #tpu.memory_space<hbm>> -> memref<128x32xf32, #tpu.memory_space<hbm>>
        %dma_wait3A_147 = arith.constant 0 : i32
        %dma_wait3A_148 = arith.constant 0 : i32
        %dma_wait3A_149 = tpu.memref_slice %arg7[%rem3A_81, %dma_wait3A_147, %dma_wait3A_148] : memref<2x128x32xf32, #tpu.memory_space<vmem>> -> memref<1x128x32xf32, #tpu.memory_space<vmem>>
        %dma_wait3A_150 = tpu.memref_squeeze %dma_wait3A_149 : memref<1x128x32xf32, #tpu.memory_space<vmem>> -> memref<128x32xf32, #tpu.memory_space<vmem>>
        tpu.wait_dma2 semaphore(%dma_wait3A_143 : memref<!tpu.dma_semaphore, #tpu.memory_space<semaphore_mem>>) src(%dma_wait3A_150 : memref<128x32xf32, #tpu.memory_space<vmem>>) dst(%dma_wait3A_146 : memref<128x32xf32, #tpu.memory_space<hbm>>)
      } else {
      }
      %mul3A_84 = arith.constant 128 : i32
      %mul3A_85 = arith.muli %scan3A_79, %mul3A_84 : i32
      %dma_start3A = arith.constant 0 : i32
      %dma_start3A_86 = arith.constant 0 : i32
      %dma_start3A_87 = tpu.memref_slice %arg6[%rem3A_81, %dma_start3A, %dma_start3A_86] : memref<2x128x128xf32, #tpu.memory_space<vmem>> -> memref<1x128x128xf32, #tpu.memory_space<vmem>>
      %dma_start3A_88 = tpu.memref_squeeze %dma_start3A_87 : memref<1x128x128xf32, #tpu.memory_space<vmem>> -> memref<128x128xf32, #tpu.memory_space<vmem>>
      %dma_start3A_89 = tpu.memref_slice %arg5[%mul3A_85] : memref<2048xi32, #tpu.memory_space<vmem>> -> memref<128xi32, #tpu.memory_space<vmem>>
      %dma_start3A_90 = arith.constant 0 : i32
      %dma_start3A_91 = arith.constant 0 : i32
      %dma_start3A_92 = tpu.memref_slice %arg2[%dma_start3A_90, %dma_start3A_91] : memref<1000x128xf32, #tpu.memory_space<hbm>> -> memref<1000x128xf32, #tpu.memory_space<hbm>>
      %dma_start3A_93 = tpu.memref_slice %arg8[%rem3A_81] : memref<2x!tpu.dma_semaphore, #tpu.memory_space<semaphore_mem>> -> memref<1x!tpu.dma_semaphore, #tpu.memory_space<semaphore_mem>>
      %dma_start3A_94 = tpu.memref_squeeze %dma_start3A_93 : memref<1x!tpu.dma_semaphore, #tpu.memory_space<semaphore_mem>> -> memref<!tpu.dma_semaphore, #tpu.memory_space<semaphore_mem>>
      tpu.enqueue_indirect_dma source(%dma_start3A_92 : memref<1000x128xf32, #tpu.memory_space<hbm>>) target(%dma_start3A_88 : memref<128x128xf32, #tpu.memory_space<vmem>>) offsets(%dma_start3A_89 : memref<128xi32, #tpu.memory_space<vmem>>) semaphore(%dma_start3A_94 : memref<!tpu.dma_semaphore, #tpu.memory_space<semaphore_mem>>)
      %dma_wait3A_95 = arith.constant 0 : i32
      %dma_wait3A_96 = arith.constant 0 : i32
      %dma_wait3A_97 = tpu.memref_slice %arg6[%rem3A_81, %dma_wait3A_95, %dma_wait3A_96] : memref<2x128x128xf32, #tpu.memory_space<vmem>> -> memref<1x128x128xf32, #tpu.memory_space<vmem>>
      %dma_wait3A_98 = tpu.memref_squeeze %dma_wait3A_97 : memref<1x128x128xf32, #tpu.memory_space<vmem>> -> memref<128x128xf32, #tpu.memory_space<vmem>>
      %dma_wait3A_99 = tpu.memref_slice %arg5[%mul3A_85] : memref<2048xi32, #tpu.memory_space<vmem>> -> memref<128xi32, #tpu.memory_space<vmem>>
      %dma_wait3A_100 = arith.constant 0 : i32
      %dma_wait3A_101 = arith.constant 0 : i32
      %dma_wait3A_102 = tpu.memref_slice %arg2[%dma_wait3A_100, %dma_wait3A_101] : memref<1000x128xf32, #tpu.memory_space<hbm>> -> memref<1000x128xf32, #tpu.memory_space<hbm>>
      %dma_wait3A_103 = tpu.memref_slice %arg8[%rem3A_81] : memref<2x!tpu.dma_semaphore, #tpu.memory_space<semaphore_mem>> -> memref<1x!tpu.dma_semaphore, #tpu.memory_space<semaphore_mem>>
      %dma_wait3A_104 = tpu.memref_squeeze %dma_wait3A_103 : memref<1x!tpu.dma_semaphore, #tpu.memory_space<semaphore_mem>> -> memref<!tpu.dma_semaphore, #tpu.memory_space<semaphore_mem>>
      tpu.wait_indirect_dma semaphore(%dma_wait3A_104 : memref<!tpu.dma_semaphore, #tpu.memory_space<semaphore_mem>>) src(%dma_wait3A_102 : memref<1000x128xf32, #tpu.memory_space<hbm>>) dst(%dma_wait3A_98 : memref<128x128xf32, #tpu.memory_space<vmem>>)
      %scan3A_105 = arith.constant 0 : i32
      %scan3A_106 = arith.constant 0 : i32
      %scan3A_107 = arith.constant 128 : i32
      %scan3A_108 = arith.addi %scan3A_106, %scan3A_107 : i32
      %scan3A_109 = arith.constant 1 : i32
      scf.for %scan3A_130 = %scan3A_106 to %scan3A_108 step %scan3A_109  : i32 {
        %get3A = arith.index_cast %rem3A_81 : i32 to index
        %get3A_131 = arith.index_cast %scan3A_130 : i32 to index
        %get3A_132 = arith.constant 0 : index
        %get3A_133 = tpu.vector_load %arg6[%get3A, %get3A_131, %get3A_132] {strides = array<i32>} : memref<2x128x128xf32, #tpu.memory_space<vmem>>, vector<1x1x16xf32>,
        %get3A_134 = vector.shape_cast %get3A_133 : vector<1x1x16xf32> to vector<16xf32>
        %swap3A = arith.index_cast %rem3A_81 : i32 to index
        %swap3A_135 = arith.index_cast %scan3A_130 : i32 to index
        %swap3A_136 = arith.constant 0 : index
        %swap3A_137 = tpu.vector_load %arg7[%swap3A, %swap3A_135, %swap3A_136] {strides = array<i32>} : memref<2x128x32xf32, #tpu.memory_space<vmem>>, vector<1x1x16xf32>,
        %swap3A_138 = vector.shape_cast %swap3A_137 : vector<1x1x16xf32> to vector<16xf32>
        %swap3A_139 = vector.shape_cast %get3A_134 : vector<16xf32> to vector<1x1x16xf32>
        tpu.vector_store %arg7[%swap3A, %swap3A_135, %swap3A_136], %swap3A_139 {strides = array<i32>} : memref<2x128x32xf32, #tpu.memory_space<vmem>>, vector<1x1x16xf32>,
        %get3A_140 = arith.index_cast %rem3A_81 : i32 to index
        %get3A_141 = arith.index_cast %scan3A_130 : i32 to index
        %get3A_142 = arith.constant 16 : index
        %get3A_143 = tpu.vector_load %arg6[%get3A_140, %get3A_141, %get3A_142] {strides = array<i32>} : memref<2x128x128xf32, #tpu.memory_space<vmem>>, vector<1x1x16xf32>,
        %get3A_144 = vector.shape_cast %get3A_143 : vector<1x1x16xf32> to vector<16xf32>
        %swap3A_145 = arith.index_cast %rem3A_81 : i32 to index
        %swap3A_146 = arith.index_cast %scan3A_130 : i32 to index
        %swap3A_147 = arith.constant 16 : index
        %swap3A_148 = tpu.vector_load %arg7[%swap3A_145, %swap3A_146, %swap3A_147] {strides = array<i32>} : memref<2x128x32xf32, #tpu.memory_space<vmem>>, vector<1x1x16xf32>,
        %swap3A_149 = vector.shape_cast %swap3A_148 : vector<1x1x16xf32> to vector<16xf32>
        %swap3A_150 = vector.shape_cast %get3A_144 : vector<16xf32> to vector<1x1x16xf32>
        tpu.vector_store %arg7[%swap3A_145, %swap3A_146, %swap3A_147], %swap3A_150 {strides = array<i32>} : memref<2x128x32xf32, #tpu.memory_space<vmem>>, vector<1x1x16xf32>,
      }
      %scan3A_110 = arith.constant 128 : i32
      %mul3A_111 = arith.constant 128 : i32
      %mul3A_112 = arith.muli %scan3A_79, %mul3A_111 : i32
      %add3A_113 = arith.addi %mul3A_34, %mul3A_112 : i32
      %dma_start3A_114 = arith.constant 0 : i32
      %dma_start3A_115 = arith.constant 0 : i32
      %dma_start3A_116 = tpu.memref_slice %arg7[%rem3A_81, %dma_start3A_114, %dma_start3A_115] : memref<2x128x32xf32, #tpu.memory_space<vmem>> -> memref<1x128x32xf32, #tpu.memory_space<vmem>>
      %dma_start3A_117 = tpu.memref_squeeze %dma_start3A_116 : memref<1x128x32xf32, #tpu.memory_space<vmem>> -> memref<128x32xf32, #tpu.memory_space<vmem>>
      %dma_start3A_118 = arith.constant 0 : i32
      %dma_start3A_119 = tpu.memref_slice %arg4[%select_n3A, %add3A_113, %dma_start3A_118] : memref<4x16384x32xf32, #tpu.memory_space<hbm>> -> memref<1x128x32xf32, #tpu.memory_space<hbm>>
      %dma_start3A_120 = tpu.memref_squeeze %dma_start3A_119 : memref<1x128x32xf32, #tpu.memory_space<hbm>> -> memref<128x32xf32, #tpu.memory_space<hbm>>
      %dma_start3A_121 = tpu.memref_slice %arg9[%rem3A_81] : memref<2x!tpu.dma_semaphore, #tpu.memory_space<semaphore_mem>> -> memref<1x!tpu.dma_semaphore, #tpu.memory_space<semaphore_mem>>
      %dma_start3A_122 = tpu.memref_squeeze %dma_start3A_121 : memref<1x!tpu.dma_semaphore, #tpu.memory_space<semaphore_mem>> -> memref<!tpu.dma_semaphore, #tpu.memory_space<semaphore_mem>>
      %dma_start3A_123 = arith.constant 0 : i32
      %dma_start3A_124 = tpu.memref_slice %arg4[%select_n3A, %add3A_113, %dma_start3A_123] : memref<4x16384x32xf32, #tpu.memory_space<hbm>> -> memref<1x128x32xf32, #tpu.memory_space<hbm>>
      %dma_start3A_125 = tpu.memref_squeeze %dma_start3A_124 : memref<1x128x32xf32, #tpu.memory_space<hbm>> -> memref<128x32xf32, #tpu.memory_space<hbm>>
      %dma_start3A_126 = arith.constant 0 : i32
      %dma_start3A_127 = arith.constant 0 : i32
      %dma_start3A_128 = tpu.memref_slice %arg7[%rem3A_81, %dma_start3A_126, %dma_start3A_127] : memref<2x128x32xf32, #tpu.memory_space<vmem>> -> memref<1x128x32xf32, #tpu.memory_space<vmem>>
      %dma_start3A_129 = tpu.memref_squeeze %dma_start3A_128 : memref<1x128x32xf32, #tpu.memory_space<vmem>> -> memref<128x32xf32, #tpu.memory_space<vmem>>
      tpu.enqueue_dma source(%dma_start3A_129 : memref<128x32xf32, #tpu.memory_space<vmem>>) target(%dma_start3A_125 : memref<128x32xf32, #tpu.memory_space<hbm>>) target_semaphore(%dma_start3A_122 : memref<!tpu.dma_semaphore, #tpu.memory_space<semaphore_mem>>)
    }
    %scan3A_39 = arith.constant 16 : i32
    %add3A_40 = arith.constant 1792 : i32
    %add3A_41 = arith.addi %mul3A_34, %add3A_40 : i32
    %dma_wait3A = arith.constant 0 : i32
    %dma_wait3A_42 = arith.constant 0 : i32
    %dma_wait3A_43 = arith.constant 0 : i32
    %dma_wait3A_44 = arith.constant 0 : i32
    %dma_wait3A_45 = tpu.memref_slice %arg7[%dma_wait3A, %dma_wait3A_43, %dma_wait3A_44] : memref<2x128x32xf32, #tpu.memory_space<vmem>> -> memref<1x128x32xf32, #tpu.memory_space<vmem>>
    %dma_wait3A_46 = tpu.memref_squeeze %dma_wait3A_45 : memref<1x128x32xf32, #tpu.memory_space<vmem>> -> memref<128x32xf32, #tpu.memory_space<vmem>>
    %dma_wait3A_47 = arith.constant 0 : i32
    %dma_wait3A_48 = tpu.memref_slice %arg4[%select_n3A, %add3A_41, %dma_wait3A_47] : memref<4x16384x32xf32, #tpu.memory_space<hbm>> -> memref<1x128x32xf32, #tpu.memory_space<hbm>>
    %dma_wait3A_49 = tpu.memref_squeeze %dma_wait3A_48 : memref<1x128x32xf32, #tpu.memory_space<hbm>> -> memref<128x32xf32, #tpu.memory_space<hbm>>
    %dma_wait3A_50 = tpu.memref_slice %arg9[%dma_wait3A_42] : memref<2x!tpu.dma_semaphore, #tpu.memory_space<semaphore_mem>> -> memref<1x!tpu.dma_semaphore, #tpu.memory_space<semaphore_mem>>
    %dma_wait3A_51 = tpu.memref_squeeze %dma_wait3A_50 : memref<1x!tpu.dma_semaphore, #tpu.memory_space<semaphore_mem>> -> memref<!tpu.dma_semaphore, #tpu.memory_space<semaphore_mem>>
    %dma_wait3A_52 = arith.constant 0 : i32
    %dma_wait3A_53 = tpu.memref_slice %arg4[%select_n3A, %add3A_41, %dma_wait3A_52] : memref<4x16384x32xf32, #tpu.memory_space<hbm>> -> memref<1x128x32xf32, #tpu.memory_space<hbm>>
    %dma_wait3A_54 = tpu.memref_squeeze %dma_wait3A_53 : memref<1x128x32xf32, #tpu.memory_space<hbm>> -> memref<128x32xf32, #tpu.memory_space<hbm>>
    %dma_wait3A_55 = arith.constant 0 : i32
    %dma_wait3A_56 = arith.constant 0 : i32
    %dma_wait3A_57 = tpu.memref_slice %arg7[%dma_wait3A, %dma_wait3A_55, %dma_wait3A_56] : memref<2x128x32xf32, #tpu.memory_space<vmem>> -> memref<1x128x32xf32, #tpu.memory_space<vmem>>
    %dma_wait3A_58 = tpu.memref_squeeze %dma_wait3A_57 : memref<1x128x32xf32, #tpu.memory_space<vmem>> -> memref<128x32xf32, #tpu.memory_space<vmem>>
    tpu.wait_dma2 semaphore(%dma_wait3A_51 : memref<!tpu.dma_semaphore, #tpu.memory_space<semaphore_mem>>) src(%dma_wait3A_58 : memref<128x32xf32, #tpu.memory_space<vmem>>) dst(%dma_wait3A_54 : memref<128x32xf32, #tpu.memory_space<hbm>>)
    %add3A_59 = arith.constant 1920 : i32
    %add3A_60 = arith.addi %mul3A_34, %add3A_59 : i32
    %dma_wait3A_61 = arith.constant 1 : i32
    %dma_wait3A_62 = arith.constant 1 : i32
    %dma_wait3A_63 = arith.constant 0 : i32
    %dma_wait3A_64 = arith.constant 0 : i32
    %dma_wait3A_65 = tpu.memref_slice %arg7[%dma_wait3A_61, %dma_wait3A_63, %dma_wait3A_64] : memref<2x128x32xf32, #tpu.memory_space<vmem>> -> memref<1x128x32xf32, #tpu.memory_space<vmem>>
    %dma_wait3A_66 = tpu.memref_squeeze %dma_wait3A_65 : memref<1x128x32xf32, #tpu.memory_space<vmem>> -> memref<128x32xf32, #tpu.memory_space<vmem>>
    %dma_wait3A_67 = arith.constant 0 : i32
    %dma_wait3A_68 = tpu.memref_slice %arg4[%select_n3A, %add3A_60, %dma_wait3A_67] : memref<4x16384x32xf32, #tpu.memory_space<hbm>> -> memref<1x128x32xf32, #tpu.memory_space<hbm>>
    %dma_wait3A_69 = tpu.memref_squeeze %dma_wait3A_68 : memref<1x128x32xf32, #tpu.memory_space<hbm>> -> memref<128x32xf32, #tpu.memory_space<hbm>>
    %dma_wait3A_70 = tpu.memref_slice %arg9[%dma_wait3A_62] : memref<2x!tpu.dma_semaphore, #tpu.memory_space<semaphore_mem>> -> memref<1x!tpu.dma_semaphore, #tpu.memory_space<semaphore_mem>>
    %dma_wait3A_71 = tpu.memref_squeeze %dma_wait3A_70 : memref<1x!tpu.dma_semaphore, #tpu.memory_space<semaphore_mem>> -> memref<!tpu.dma_semaphore, #tpu.memory_space<semaphore_mem>>
    %dma_wait3A_72 = arith.constant 0 : i32
    %dma_wait3A_73 = tpu.memref_slice %arg4[%select_n3A, %add3A_60, %dma_wait3A_72] : memref<4x16384x32xf32, #tpu.memory_space<hbm>> -> memref<1x128x32xf32, #tpu.memory_space<hbm>>
    %dma_wait3A_74 = tpu.memref_squeeze %dma_wait3A_73 : memref<1x128x32xf32, #tpu.memory_space<hbm>> -> memref<128x32xf32, #tpu.memory_space<hbm>>
    %dma_wait3A_75 = arith.constant 0 : i32
    %dma_wait3A_76 = arith.constant 0 : i32
    %dma_wait3A_77 = tpu.memref_slice %arg7[%dma_wait3A_61, %dma_wait3A_75, %dma_wait3A_76] : memref<2x128x32xf32, #tpu.memory_space<vmem>> -> memref<1x128x32xf32, #tpu.memory_space<vmem>>
    %dma_wait3A_78 = tpu.memref_squeeze %dma_wait3A_77 : memref<1x128x32xf32, #tpu.memory_space<vmem>> -> memref<128x32xf32, #tpu.memory_space<vmem>>
    tpu.wait_dma2 semaphore(%dma_wait3A_71 : memref<!tpu.dma_semaphore, #tpu.memory_space<semaphore_mem>>) src(%dma_wait3A_78 : memref<128x32xf32, #tpu.memory_space<vmem>>) dst(%dma_wait3A_74 : memref<128x32xf32, #tpu.memory_space<hbm>>)
    return
  }
}

#map = affine_map<(d0, d1) -> (0, 0)>
#map1 = affine_map<(d0, d1) -> (0)>
#map2 = affine_map<(d0, d1) -> (0, 0, 0)>
module attributes {stable_mosaic.version = 14 : i64} {
  func.func @gather_kernel(%arg0: i32, %arg1: i32, %arg2: memref<1000x128xf32, #tpu.memory_space<hbm>>, %arg3: memref<16384xi32, #tpu.memory_space<hbm>>, %arg4: memref<1x16384x32xf32, #tpu.memory_space<hbm>>, %arg5: memref<512xi32, #tpu.memory_space<vmem>>, %arg6: memref<2x128x128xf32, #tpu.memory_space<vmem>>, %arg7: memref<2x128x32xf32, #tpu.memory_space<vmem>>, %arg8: memref<2x!tpu.dma_semaphore, #tpu.memory_space<semaphore_mem>>, %arg9: memref<2x!tpu.dma_semaphore, #tpu.memory_space<semaphore_mem>>) attributes {dimension_semantics = [#tpu.dimension_semantics<core_parallel>, #tpu.dimension_semantics<subcore_parallel>], iteration_bounds = array<i64: 2, 16>, scalar_prefetch = 0 : i64, scratch_operands = 5 : i64, tpu.core_type = #tpu.core_type<sc_vector_subcore>, window_params = [{transform_indices = #map}, {transform_indices = #map1}, {transform_indices = #map2}]} {
    %mul3A = arith.constant 2 : i32
    %mul3A_0 = arith.muli %arg1, %mul3A : i32
    %add3A = arith.addi %mul3A_0, %arg0 : i32
    %mul3A_1 = arith.constant 512 : i32
    %mul3A_2 = arith.muli %add3A, %mul3A_1 : i32
    %jit3A = arith.constant 32 : i32
    %div3A = arith.divsi %add3A, %jit3A : i32
    %sign3A = arith.constant 0 : i32
    %sign3A_3 = arith.cmpi sgt, %add3A, %sign3A : i32
    %sign3A_4 = arith.extui %sign3A_3 : i1 to i32
    %sign3A_5 = arith.constant 0 : i32
    %sign3A_6 = arith.cmpi slt, %add3A, %sign3A_5 : i32
    %sign3A_7 = arith.extui %sign3A_6 : i1 to i32
    %sign3A_8 = arith.subi %sign3A_4, %sign3A_7 : i32
    %sign3A_9 = arith.constant 0 : i32
    %sign3A_10 = arith.cmpi sgt, %jit3A, %sign3A_9 : i32
    %sign3A_11 = arith.extui %sign3A_10 : i1 to i32
    %sign3A_12 = arith.constant 0 : i32
    %sign3A_13 = arith.cmpi slt, %jit3A, %sign3A_12 : i32
    %sign3A_14 = arith.extui %sign3A_13 : i1 to i32
    %sign3A_15 = arith.subi %sign3A_11, %sign3A_14 : i32
    %ne3A = arith.cmpi ne, %sign3A_8, %sign3A_15 : i32
    %rem3A = arith.remsi %add3A, %jit3A : i32
    %ne3A_16 = arith.constant 0 : i32
    %ne3A_17 = arith.cmpi ne, %rem3A, %ne3A_16 : i32
    %and3A = arith.andi %ne3A, %ne3A_17 : i1
    %sub3A = arith.constant 1 : i32
    %sub3A_18 = arith.subi %div3A, %sub3A : i32
    %select_n3A = arith.select %and3A, %sub3A_18, %div3A : i32
    %jit3A_19 = arith.constant 32 : i32
    %eq3A = arith.constant 0 : i32
    %eq3A_20 = arith.cmpi eq, %jit3A_19, %eq3A : i32
    %jit3A_21 = arith.constant 1 : i32
    %select_n3A_22 = arith.select %eq3A_20, %jit3A_21, %jit3A_19 : i32
    %rem3A_23 = arith.remsi %add3A, %select_n3A_22 : i32
    %ne3A_24 = arith.constant 0 : i32
    %ne3A_25 = arith.cmpi ne, %rem3A_23, %ne3A_24 : i32
    %lt3A = arith.constant 0 : i32
    %lt3A_26 = arith.cmpi slt, %rem3A_23, %lt3A : i32
    %lt3A_27 = arith.constant 0 : i32
    %lt3A_28 = arith.cmpi slt, %select_n3A_22, %lt3A_27 : i32
    %ne3A_29 = arith.xori %lt3A_26, %lt3A_28 : i1
    %and3A_30 = arith.andi %ne3A_29, %ne3A_25 : i1
    %add3A_31 = arith.addi %rem3A_23, %select_n3A_22 : i32
    %select_n3A_32 = arith.select %and3A_30, %add3A_31, %rem3A_23 : i32
    %mul3A_33 = arith.constant 512 : i32
    %mul3A_34 = arith.muli %select_n3A_32, %mul3A_33 : i32
    "tpu.region"() ({
      %run_scoped3A = tpu.sem_alloc : memref<!tpu.dma_semaphore, #tpu.memory_space<semaphore_mem>>
      %dma_start3A = tpu.memref_slice %arg3[%mul3A_2] : memref<16384xi32, #tpu.memory_space<hbm>> -> memref<512xi32, #tpu.memory_space<hbm>>
      %dma_start3A_79 = tpu.memref_slice %arg3[%mul3A_2] : memref<16384xi32, #tpu.memory_space<hbm>> -> memref<512xi32, #tpu.memory_space<hbm>>
      tpu.enqueue_dma source(%dma_start3A_79 : memref<512xi32, #tpu.memory_space<hbm>>) target(%arg5 : memref<512xi32, #tpu.memory_space<vmem>>) target_semaphore(%run_scoped3A : memref<!tpu.dma_semaphore, #tpu.memory_space<semaphore_mem>>)
      %dma_wait3A_80 = tpu.memref_slice %arg3[%mul3A_2] : memref<16384xi32, #tpu.memory_space<hbm>> -> memref<512xi32, #tpu.memory_space<hbm>>
      %dma_wait3A_81 = tpu.memref_slice %arg3[%mul3A_2] : memref<16384xi32, #tpu.memory_space<hbm>> -> memref<512xi32, #tpu.memory_space<hbm>>
      tpu.wait_dma2 semaphore(%run_scoped3A : memref<!tpu.dma_semaphore, #tpu.memory_space<semaphore_mem>>) src(%dma_wait3A_81 : memref<512xi32, #tpu.memory_space<hbm>>) dst(%arg5 : memref<512xi32, #tpu.memory_space<vmem>>)
      tpu.yield
    }) : () -> ()
    %scan3A = arith.constant 0 : i32
    %scan3A_35 = arith.constant 0 : i32
    %scan3A_36 = arith.constant 4 : i32
    %scan3A_37 = arith.addi %scan3A_35, %scan3A_36 : i32
    %scan3A_38 = arith.constant 1 : i32
    scf.for %scan3A_79 = %scan3A_35 to %scan3A_37 step %scan3A_38  : i32 {
      %rem3A_80 = arith.constant 2 : i32
      %rem3A_81 = arith.remsi %scan3A_79, %rem3A_80 : i32
      %ge3A = arith.constant 2 : i32
      %ge3A_82 = arith.cmpi sge, %scan3A_79, %ge3A : i32
      %convert_element_type3A = arith.extui %ge3A_82 : i1 to i32
      %cond3A = arith.constant 0 : i32
      %cond3A_83 = arith.cmpi ne, %convert_element_type3A, %cond3A : i32
      scf.if %cond3A_83 {
        %sub3A_130 = arith.constant 2 : i32
        %sub3A_131 = arith.subi %scan3A_79, %sub3A_130 : i32
        %mul3A_132 = arith.constant 128 : i32
        %mul3A_133 = arith.muli %sub3A_131, %mul3A_132 : i32
        %add3A_134 = arith.addi %mul3A_34, %mul3A_133 : i32
        %dma_wait3A_135 = arith.constant 0 : i32
        %dma_wait3A_136 = arith.constant 0 : i32
        %dma_wait3A_137 = tpu.memref_slice %arg7[%rem3A_81, %dma_wait3A_135, %dma_wait3A_136] : memref<2x128x32xf32, #tpu.memory_space<vmem>> -> memref<1x128x32xf32, #tpu.memory_space<vmem>>
        %dma_wait3A_138 = tpu.memref_squeeze %dma_wait3A_137 : memref<1x128x32xf32, #tpu.memory_space<vmem>> -> memref<128x32xf32, #tpu.memory_space<vmem>>
        %dma_wait3A_139 = arith.constant 0 : i32
        %dma_wait3A_140 = tpu.memref_slice %arg4[%select_n3A, %add3A_134, %dma_wait3A_139] : memref<1x16384x32xf32, #tpu.memory_space<hbm>> -> memref<1x128x32xf32, #tpu.memory_space<hbm>>
        %dma_wait3A_141 = tpu.memref_squeeze %dma_wait3A_140 : memref<1x128x32xf32, #tpu.memory_space<hbm>> -> memref<128x32xf32, #tpu.memory_space<hbm>>
        %dma_wait3A_142 = tpu.memref_slice %arg9[%rem3A_81] : memref<2x!tpu.dma_semaphore, #tpu.memory_space<semaphore_mem>> -> memref<1x!tpu.dma_semaphore, #tpu.memory_space<semaphore_mem>>
        %dma_wait3A_143 = tpu.memref_squeeze %dma_wait3A_142 : memref<1x!tpu.dma_semaphore, #tpu.memory_space<semaphore_mem>> -> memref<!tpu.dma_semaphore, #tpu.memory_space<semaphore_mem>>
        %dma_wait3A_144 = arith.constant 0 : i32
        %dma_wait3A_145 = tpu.memref_slice %arg4[%select_n3A, %add3A_134, %dma_wait3A_144] : memref<1x16384x32xf32, #tpu.memory_space<hbm>> -> memref<1x128x32xf32, #tpu.memory_space<hbm>>
        %dma_wait3A_146 = tpu.memref_squeeze %dma_wait3A_145 : memref<1x128x32xf32, #tpu.memory_space<hbm>> -> memref<128x32xf32, #tpu.memory_space<hbm>>
        %dma_wait3A_147 = arith.constant 0 : i32
        %dma_wait3A_148 = arith.constant 0 : i32
        %dma_wait3A_149 = tpu.memref_slice %arg7[%rem3A_81, %dma_wait3A_147, %dma_wait3A_148] : memref<2x128x32xf32, #tpu.memory_space<vmem>> -> memref<1x128x32xf32, #tpu.memory_space<vmem>>
        %dma_wait3A_150 = tpu.memref_squeeze %dma_wait3A_149 : memref<1x128x32xf32, #tpu.memory_space<vmem>> -> memref<128x32xf32, #tpu.memory_space<vmem>>
        tpu.wait_dma2 semaphore(%dma_wait3A_143 : memref<!tpu.dma_semaphore, #tpu.memory_space<semaphore_mem>>) src(%dma_wait3A_150 : memref<128x32xf32, #tpu.memory_space<vmem>>) dst(%dma_wait3A_146 : memref<128x32xf32, #tpu.memory_space<hbm>>)
      } else {
      }
      %mul3A_84 = arith.constant 128 : i32
      %mul3A_85 = arith.muli %scan3A_79, %mul3A_84 : i32
      %dma_start3A = arith.constant 0 : i32
      %dma_start3A_86 = arith.constant 0 : i32
      %dma_start3A_87 = tpu.memref_slice %arg6[%rem3A_81, %dma_start3A, %dma_start3A_86] : memref<2x128x128xf32, #tpu.memory_space<vmem>> -> memref<1x128x128xf32, #tpu.memory_space<vmem>>
      %dma_start3A_88 = tpu.memref_squeeze %dma_start3A_87 : memref<1x128x128xf32, #tpu.memory_space<vmem>> -> memref<128x128xf32, #tpu.memory_space<vmem>>
      %dma_start3A_89 = tpu.memref_slice %arg5[%mul3A_85] : memref<512xi32, #tpu.memory_space<vmem>> -> memref<128xi32, #tpu.memory_space<vmem>>
      %dma_start3A_90 = arith.constant 0 : i32
      %dma_start3A_91 = arith.constant 0 : i32
      %dma_start3A_92 = tpu.memref_slice %arg2[%dma_start3A_90, %dma_start3A_91] : memref<1000x128xf32, #tpu.memory_space<hbm>> -> memref<1000x128xf32, #tpu.memory_space<hbm>>
      %dma_start3A_93 = tpu.memref_slice %arg8[%rem3A_81] : memref<2x!tpu.dma_semaphore, #tpu.memory_space<semaphore_mem>> -> memref<1x!tpu.dma_semaphore, #tpu.memory_space<semaphore_mem>>
      %dma_start3A_94 = tpu.memref_squeeze %dma_start3A_93 : memref<1x!tpu.dma_semaphore, #tpu.memory_space<semaphore_mem>> -> memref<!tpu.dma_semaphore, #tpu.memory_space<semaphore_mem>>
      tpu.enqueue_indirect_dma source(%dma_start3A_92 : memref<1000x128xf32, #tpu.memory_space<hbm>>) target(%dma_start3A_88 : memref<128x128xf32, #tpu.memory_space<vmem>>) offsets(%dma_start3A_89 : memref<128xi32, #tpu.memory_space<vmem>>) semaphore(%dma_start3A_94 : memref<!tpu.dma_semaphore, #tpu.memory_space<semaphore_mem>>)
      %dma_wait3A_95 = arith.constant 0 : i32
      %dma_wait3A_96 = arith.constant 0 : i32
      %dma_wait3A_97 = tpu.memref_slice %arg6[%rem3A_81, %dma_wait3A_95, %dma_wait3A_96] : memref<2x128x128xf32, #tpu.memory_space<vmem>> -> memref<1x128x128xf32, #tpu.memory_space<vmem>>
      %dma_wait3A_98 = tpu.memref_squeeze %dma_wait3A_97 : memref<1x128x128xf32, #tpu.memory_space<vmem>> -> memref<128x128xf32, #tpu.memory_space<vmem>>
      %dma_wait3A_99 = tpu.memref_slice %arg5[%mul3A_85] : memref<512xi32, #tpu.memory_space<vmem>> -> memref<128xi32, #tpu.memory_space<vmem>>
      %dma_wait3A_100 = arith.constant 0 : i32
      %dma_wait3A_101 = arith.constant 0 : i32
      %dma_wait3A_102 = tpu.memref_slice %arg2[%dma_wait3A_100, %dma_wait3A_101] : memref<1000x128xf32, #tpu.memory_space<hbm>> -> memref<1000x128xf32, #tpu.memory_space<hbm>>
      %dma_wait3A_103 = tpu.memref_slice %arg8[%rem3A_81] : memref<2x!tpu.dma_semaphore, #tpu.memory_space<semaphore_mem>> -> memref<1x!tpu.dma_semaphore, #tpu.memory_space<semaphore_mem>>
      %dma_wait3A_104 = tpu.memref_squeeze %dma_wait3A_103 : memref<1x!tpu.dma_semaphore, #tpu.memory_space<semaphore_mem>> -> memref<!tpu.dma_semaphore, #tpu.memory_space<semaphore_mem>>
      tpu.wait_indirect_dma semaphore(%dma_wait3A_104 : memref<!tpu.dma_semaphore, #tpu.memory_space<semaphore_mem>>) src(%dma_wait3A_102 : memref<1000x128xf32, #tpu.memory_space<hbm>>) dst(%dma_wait3A_98 : memref<128x128xf32, #tpu.memory_space<vmem>>)
      %scan3A_105 = arith.constant 0 : i32
      %scan3A_106 = arith.constant 0 : i32
      %scan3A_107 = arith.constant 128 : i32
      %scan3A_108 = arith.addi %scan3A_106, %scan3A_107 : i32
      %scan3A_109 = arith.constant 1 : i32
      scf.for %scan3A_130 = %scan3A_106 to %scan3A_108 step %scan3A_109  : i32 {
        %get3A = arith.index_cast %rem3A_81 : i32 to index
        %get3A_131 = arith.index_cast %scan3A_130 : i32 to index
        %get3A_132 = arith.constant 0 : index
        %get3A_133 = tpu.vector_load %arg6[%get3A, %get3A_131, %get3A_132] {strides = array<i32>} : memref<2x128x128xf32, #tpu.memory_space<vmem>>, vector<1x1x16xf32>,
        %get3A_134 = vector.shape_cast %get3A_133 : vector<1x1x16xf32> to vector<16xf32>
        %swap3A = arith.index_cast %rem3A_81 : i32 to index
        %swap3A_135 = arith.index_cast %scan3A_130 : i32 to index
        %swap3A_136 = arith.constant 0 : index
        %swap3A_137 = tpu.vector_load %arg7[%swap3A, %swap3A_135, %swap3A_136] {strides = array<i32>} : memref<2x128x32xf32, #tpu.memory_space<vmem>>, vector<1x1x16xf32>,
        %swap3A_138 = vector.shape_cast %swap3A_137 : vector<1x1x16xf32> to vector<16xf32>
        %swap3A_139 = vector.shape_cast %get3A_134 : vector<16xf32> to vector<1x1x16xf32>
        tpu.vector_store %arg7[%swap3A, %swap3A_135, %swap3A_136], %swap3A_139 {strides = array<i32>} : memref<2x128x32xf32, #tpu.memory_space<vmem>>, vector<1x1x16xf32>,
        %get3A_140 = arith.index_cast %rem3A_81 : i32 to index
        %get3A_141 = arith.index_cast %scan3A_130 : i32 to index
        %get3A_142 = arith.constant 16 : index
        %get3A_143 = tpu.vector_load %arg6[%get3A_140, %get3A_141, %get3A_142] {strides = array<i32>} : memref<2x128x128xf32, #tpu.memory_space<vmem>>, vector<1x1x16xf32>,
        %get3A_144 = vector.shape_cast %get3A_143 : vector<1x1x16xf32> to vector<16xf32>
        %swap3A_145 = arith.index_cast %rem3A_81 : i32 to index
        %swap3A_146 = arith.index_cast %scan3A_130 : i32 to index
        %swap3A_147 = arith.constant 16 : index
        %swap3A_148 = tpu.vector_load %arg7[%swap3A_145, %swap3A_146, %swap3A_147] {strides = array<i32>} : memref<2x128x32xf32, #tpu.memory_space<vmem>>, vector<1x1x16xf32>,
        %swap3A_149 = vector.shape_cast %swap3A_148 : vector<1x1x16xf32> to vector<16xf32>
        %swap3A_150 = vector.shape_cast %get3A_144 : vector<16xf32> to vector<1x1x16xf32>
        tpu.vector_store %arg7[%swap3A_145, %swap3A_146, %swap3A_147], %swap3A_150 {strides = array<i32>} : memref<2x128x32xf32, #tpu.memory_space<vmem>>, vector<1x1x16xf32>,
      }
      %scan3A_110 = arith.constant 128 : i32
      %mul3A_111 = arith.constant 128 : i32
      %mul3A_112 = arith.muli %scan3A_79, %mul3A_111 : i32
      %add3A_113 = arith.addi %mul3A_34, %mul3A_112 : i32
      %dma_start3A_114 = arith.constant 0 : i32
      %dma_start3A_115 = arith.constant 0 : i32
      %dma_start3A_116 = tpu.memref_slice %arg7[%rem3A_81, %dma_start3A_114, %dma_start3A_115] : memref<2x128x32xf32, #tpu.memory_space<vmem>> -> memref<1x128x32xf32, #tpu.memory_space<vmem>>
      %dma_start3A_117 = tpu.memref_squeeze %dma_start3A_116 : memref<1x128x32xf32, #tpu.memory_space<vmem>> -> memref<128x32xf32, #tpu.memory_space<vmem>>
      %dma_start3A_118 = arith.constant 0 : i32
      %dma_start3A_119 = tpu.memref_slice %arg4[%select_n3A, %add3A_113, %dma_start3A_118] : memref<1x16384x32xf32, #tpu.memory_space<hbm>> -> memref<1x128x32xf32, #tpu.memory_space<hbm>>
      %dma_start3A_120 = tpu.memref_squeeze %dma_start3A_119 : memref<1x128x32xf32, #tpu.memory_space<hbm>> -> memref<128x32xf32, #tpu.memory_space<hbm>>
      %dma_start3A_121 = tpu.memref_slice %arg9[%rem3A_81] : memref<2x!tpu.dma_semaphore, #tpu.memory_space<semaphore_mem>> -> memref<1x!tpu.dma_semaphore, #tpu.memory_space<semaphore_mem>>
      %dma_start3A_122 = tpu.memref_squeeze %dma_start3A_121 : memref<1x!tpu.dma_semaphore, #tpu.memory_space<semaphore_mem>> -> memref<!tpu.dma_semaphore, #tpu.memory_space<semaphore_mem>>
      %dma_start3A_123 = arith.constant 0 : i32
      %dma_start3A_124 = tpu.memref_slice %arg4[%select_n3A, %add3A_113, %dma_start3A_123] : memref<1x16384x32xf32, #tpu.memory_space<hbm>> -> memref<1x128x32xf32, #tpu.memory_space<hbm>>
      %dma_start3A_125 = tpu.memref_squeeze %dma_start3A_124 : memref<1x128x32xf32, #tpu.memory_space<hbm>> -> memref<128x32xf32, #tpu.memory_space<hbm>>
      %dma_start3A_126 = arith.constant 0 : i32
      %dma_start3A_127 = arith.constant 0 : i32
      %dma_start3A_128 = tpu.memref_slice %arg7[%rem3A_81, %dma_start3A_126, %dma_start3A_127] : memref<2x128x32xf32, #tpu.memory_space<vmem>> -> memref<1x128x32xf32, #tpu.memory_space<vmem>>
      %dma_start3A_129 = tpu.memref_squeeze %dma_start3A_128 : memref<1x128x32xf32, #tpu.memory_space<vmem>> -> memref<128x32xf32, #tpu.memory_space<vmem>>
      tpu.enqueue_dma source(%dma_start3A_129 : memref<128x32xf32, #tpu.memory_space<vmem>>) target(%dma_start3A_125 : memref<128x32xf32, #tpu.memory_space<hbm>>) target_semaphore(%dma_start3A_122 : memref<!tpu.dma_semaphore, #tpu.memory_space<semaphore_mem>>)
    }
    %scan3A_39 = arith.constant 4 : i32
    %add3A_40 = arith.constant 256 : i32
    %add3A_41 = arith.addi %mul3A_34, %add3A_40 : i32
    %dma_wait3A = arith.constant 0 : i32
    %dma_wait3A_42 = arith.constant 0 : i32
    %dma_wait3A_43 = arith.constant 0 : i32
    %dma_wait3A_44 = arith.constant 0 : i32
    %dma_wait3A_45 = tpu.memref_slice %arg7[%dma_wait3A, %dma_wait3A_43, %dma_wait3A_44] : memref<2x128x32xf32, #tpu.memory_space<vmem>> -> memref<1x128x32xf32, #tpu.memory_space<vmem>>
    %dma_wait3A_46 = tpu.memref_squeeze %dma_wait3A_45 : memref<1x128x32xf32, #tpu.memory_space<vmem>> -> memref<128x32xf32, #tpu.memory_space<vmem>>
    %dma_wait3A_47 = arith.constant 0 : i32
    %dma_wait3A_48 = tpu.memref_slice %arg4[%select_n3A, %add3A_41, %dma_wait3A_47] : memref<1x16384x32xf32, #tpu.memory_space<hbm>> -> memref<1x128x32xf32, #tpu.memory_space<hbm>>
    %dma_wait3A_49 = tpu.memref_squeeze %dma_wait3A_48 : memref<1x128x32xf32, #tpu.memory_space<hbm>> -> memref<128x32xf32, #tpu.memory_space<hbm>>
    %dma_wait3A_50 = tpu.memref_slice %arg9[%dma_wait3A_42] : memref<2x!tpu.dma_semaphore, #tpu.memory_space<semaphore_mem>> -> memref<1x!tpu.dma_semaphore, #tpu.memory_space<semaphore_mem>>
    %dma_wait3A_51 = tpu.memref_squeeze %dma_wait3A_50 : memref<1x!tpu.dma_semaphore, #tpu.memory_space<semaphore_mem>> -> memref<!tpu.dma_semaphore, #tpu.memory_space<semaphore_mem>>
    %dma_wait3A_52 = arith.constant 0 : i32
    %dma_wait3A_53 = tpu.memref_slice %arg4[%select_n3A, %add3A_41, %dma_wait3A_52] : memref<1x16384x32xf32, #tpu.memory_space<hbm>> -> memref<1x128x32xf32, #tpu.memory_space<hbm>>
    %dma_wait3A_54 = tpu.memref_squeeze %dma_wait3A_53 : memref<1x128x32xf32, #tpu.memory_space<hbm>> -> memref<128x32xf32, #tpu.memory_space<hbm>>
    %dma_wait3A_55 = arith.constant 0 : i32
    %dma_wait3A_56 = arith.constant 0 : i32
    %dma_wait3A_57 = tpu.memref_slice %arg7[%dma_wait3A, %dma_wait3A_55, %dma_wait3A_56] : memref<2x128x32xf32, #tpu.memory_space<vmem>> -> memref<1x128x32xf32, #tpu.memory_space<vmem>>
    %dma_wait3A_58 = tpu.memref_squeeze %dma_wait3A_57 : memref<1x128x32xf32, #tpu.memory_space<vmem>> -> memref<128x32xf32, #tpu.memory_space<vmem>>
    tpu.wait_dma2 semaphore(%dma_wait3A_51 : memref<!tpu.dma_semaphore, #tpu.memory_space<semaphore_mem>>) src(%dma_wait3A_58 : memref<128x32xf32, #tpu.memory_space<vmem>>) dst(%dma_wait3A_54 : memref<128x32xf32, #tpu.memory_space<hbm>>)
    %add3A_59 = arith.constant 384 : i32
    %add3A_60 = arith.addi %mul3A_34, %add3A_59 : i32
    %dma_wait3A_61 = arith.constant 1 : i32
    %dma_wait3A_62 = arith.constant 1 : i32
    %dma_wait3A_63 = arith.constant 0 : i32
    %dma_wait3A_64 = arith.constant 0 : i32
    %dma_wait3A_65 = tpu.memref_slice %arg7[%dma_wait3A_61, %dma_wait3A_63, %dma_wait3A_64] : memref<2x128x32xf32, #tpu.memory_space<vmem>> -> memref<1x128x32xf32, #tpu.memory_space<vmem>>
    %dma_wait3A_66 = tpu.memref_squeeze %dma_wait3A_65 : memref<1x128x32xf32, #tpu.memory_space<vmem>> -> memref<128x32xf32, #tpu.memory_space<vmem>>
    %dma_wait3A_67 = arith.constant 0 : i32
    %dma_wait3A_68 = tpu.memref_slice %arg4[%select_n3A, %add3A_60, %dma_wait3A_67] : memref<1x16384x32xf32, #tpu.memory_space<hbm>> -> memref<1x128x32xf32, #tpu.memory_space<hbm>>
    %dma_wait3A_69 = tpu.memref_squeeze %dma_wait3A_68 : memref<1x128x32xf32, #tpu.memory_space<hbm>> -> memref<128x32xf32, #tpu.memory_space<hbm>>
    %dma_wait3A_70 = tpu.memref_slice %arg9[%dma_wait3A_62] : memref<2x!tpu.dma_semaphore, #tpu.memory_space<semaphore_mem>> -> memref<1x!tpu.dma_semaphore, #tpu.memory_space<semaphore_mem>>
    %dma_wait3A_71 = tpu.memref_squeeze %dma_wait3A_70 : memref<1x!tpu.dma_semaphore, #tpu.memory_space<semaphore_mem>> -> memref<!tpu.dma_semaphore, #tpu.memory_space<semaphore_mem>>
    %dma_wait3A_72 = arith.constant 0 : i32
    %dma_wait3A_73 = tpu.memref_slice %arg4[%select_n3A, %add3A_60, %dma_wait3A_72] : memref<1x16384x32xf32, #tpu.memory_space<hbm>> -> memref<1x128x32xf32, #tpu.memory_space<hbm>>
    %dma_wait3A_74 = tpu.memref_squeeze %dma_wait3A_73 : memref<1x128x32xf32, #tpu.memory_space<hbm>> -> memref<128x32xf32, #tpu.memory_space<hbm>>
    %dma_wait3A_75 = arith.constant 0 : i32
    %dma_wait3A_76 = arith.constant 0 : i32
    %dma_wait3A_77 = tpu.memref_slice %arg7[%dma_wait3A_61, %dma_wait3A_75, %dma_wait3A_76] : memref<2x128x32xf32, #tpu.memory_space<vmem>> -> memref<1x128x32xf32, #tpu.memory_space<vmem>>
    %dma_wait3A_78 = tpu.memref_squeeze %dma_wait3A_77 : memref<1x128x32xf32, #tpu.memory_space<vmem>> -> memref<128x32xf32, #tpu.memory_space<vmem>>
    tpu.wait_dma2 semaphore(%dma_wait3A_71 : memref<!tpu.dma_semaphore, #tpu.memory_space<semaphore_mem>>) src(%dma_wait3A_78 : memref<128x32xf32, #tpu.memory_space<vmem>>) dst(%dma_wait3A_74 : memref<128x32xf32, #tpu.memory_space<hbm>>)
    return
  }
}

#map = affine_map<(d0, d1) -> (0, 0)>
#map1 = affine_map<(d0, d1) -> (0)>
#map2 = affine_map<(d0, d1) -> (0, 0, 0)>
module attributes {stable_mosaic.version = 14 : i64} {
  func.func @gather_kernel(%arg0: i32, %arg1: i32, %arg2: memref<1000x128xf32, #tpu.memory_space<hbm>>, %arg3: memref<16384xi32, #tpu.memory_space<hbm>>, %arg4: memref<1x16384x32xf32, #tpu.memory_space<hbm>>, %arg5: memref<512xi32, #tpu.memory_space<vmem>>, %arg6: memref<2x128x128xf32, #tpu.memory_space<vmem>>, %arg7: memref<2x128x32xf32, #tpu.memory_space<vmem>>, %arg8: memref<2x!tpu.dma_semaphore, #tpu.memory_space<semaphore_mem>>, %arg9: memref<2x!tpu.dma_semaphore, #tpu.memory_space<semaphore_mem>>) attributes {dimension_semantics = [#tpu.dimension_semantics<core_parallel>, #tpu.dimension_semantics<subcore_parallel>], iteration_bounds = array<i64: 2, 16>, scalar_prefetch = 0 : i64, scratch_operands = 5 : i64, tpu.core_type = #tpu.core_type<sc_vector_subcore>, window_params = [{transform_indices = #map}, {transform_indices = #map1}, {transform_indices = #map2}]} {
    %mul3A = arith.constant 2 : i32
    %mul3A_0 = arith.muli %arg1, %mul3A : i32
    %add3A = arith.addi %mul3A_0, %arg0 : i32
    %mul3A_1 = arith.constant 512 : i32
    %mul3A_2 = arith.muli %add3A, %mul3A_1 : i32
    %jit3A = arith.constant 32 : i32
    %div3A = arith.divsi %add3A, %jit3A : i32
    %sign3A = arith.constant 0 : i32
    %sign3A_3 = arith.cmpi sgt, %add3A, %sign3A : i32
    %sign3A_4 = arith.extui %sign3A_3 : i1 to i32
    %sign3A_5 = arith.constant 0 : i32
    %sign3A_6 = arith.cmpi slt, %add3A, %sign3A_5 : i32
    %sign3A_7 = arith.extui %sign3A_6 : i1 to i32
    %sign3A_8 = arith.subi %sign3A_4, %sign3A_7 : i32
    %sign3A_9 = arith.constant 0 : i32
    %sign3A_10 = arith.cmpi sgt, %jit3A, %sign3A_9 : i32
    %sign3A_11 = arith.extui %sign3A_10 : i1 to i32
    %sign3A_12 = arith.constant 0 : i32
    %sign3A_13 = arith.cmpi slt, %jit3A, %sign3A_12 : i32
    %sign3A_14 = arith.extui %sign3A_13 : i1 to i32
    %sign3A_15 = arith.subi %sign3A_11, %sign3A_14 : i32
    %ne3A = arith.cmpi ne, %sign3A_8, %sign3A_15 : i32
    %rem3A = arith.remsi %add3A, %jit3A : i32
    %ne3A_16 = arith.constant 0 : i32
    %ne3A_17 = arith.cmpi ne, %rem3A, %ne3A_16 : i32
    %and3A = arith.andi %ne3A, %ne3A_17 : i1
    %sub3A = arith.constant 1 : i32
    %sub3A_18 = arith.subi %div3A, %sub3A : i32
    %select_n3A = arith.select %and3A, %sub3A_18, %div3A : i32
    %jit3A_19 = arith.constant 32 : i32
    %eq3A = arith.constant 0 : i32
    %eq3A_20 = arith.cmpi eq, %jit3A_19, %eq3A : i32
    %jit3A_21 = arith.constant 1 : i32
    %select_n3A_22 = arith.select %eq3A_20, %jit3A_21, %jit3A_19 : i32
    %rem3A_23 = arith.remsi %add3A, %select_n3A_22 : i32
    %ne3A_24 = arith.constant 0 : i32
    %ne3A_25 = arith.cmpi ne, %rem3A_23, %ne3A_24 : i32
    %lt3A = arith.constant 0 : i32
    %lt3A_26 = arith.cmpi slt, %rem3A_23, %lt3A : i32
    %lt3A_27 = arith.constant 0 : i32
    %lt3A_28 = arith.cmpi slt, %select_n3A_22, %lt3A_27 : i32
    %ne3A_29 = arith.xori %lt3A_26, %lt3A_28 : i1
    %and3A_30 = arith.andi %ne3A_29, %ne3A_25 : i1
    %add3A_31 = arith.addi %rem3A_23, %select_n3A_22 : i32
    %select_n3A_32 = arith.select %and3A_30, %add3A_31, %rem3A_23 : i32
    %mul3A_33 = arith.constant 512 : i32
    %mul3A_34 = arith.muli %select_n3A_32, %mul3A_33 : i32
    "tpu.region"() ({
      %run_scoped3A = tpu.sem_alloc : memref<!tpu.dma_semaphore, #tpu.memory_space<semaphore_mem>>
      %dma_start3A = tpu.memref_slice %arg3[%mul3A_2] : memref<16384xi32, #tpu.memory_space<hbm>> -> memref<512xi32, #tpu.memory_space<hbm>>
      %dma_start3A_79 = tpu.memref_slice %arg3[%mul3A_2] : memref<16384xi32, #tpu.memory_space<hbm>> -> memref<512xi32, #tpu.memory_space<hbm>>
      tpu.enqueue_dma source(%dma_start3A_79 : memref<512xi32, #tpu.memory_space<hbm>>) target(%arg5 : memref<512xi32, #tpu.memory_space<vmem>>) target_semaphore(%run_scoped3A : memref<!tpu.dma_semaphore, #tpu.memory_space<semaphore_mem>>)
      %dma_wait3A_80 = tpu.memref_slice %arg3[%mul3A_2] : memref<16384xi32, #tpu.memory_space<hbm>> -> memref<512xi32, #tpu.memory_space<hbm>>
      %dma_wait3A_81 = tpu.memref_slice %arg3[%mul3A_2] : memref<16384xi32, #tpu.memory_space<hbm>> -> memref<512xi32, #tpu.memory_space<hbm>>
      tpu.wait_dma2 semaphore(%run_scoped3A : memref<!tpu.dma_semaphore, #tpu.memory_space<semaphore_mem>>) src(%dma_wait3A_81 : memref<512xi32, #tpu.memory_space<hbm>>) dst(%arg5 : memref<512xi32, #tpu.memory_space<vmem>>)
      tpu.yield
    }) : () -> ()
    %scan3A = arith.constant 0 : i32
    %scan3A_35 = arith.constant 0 : i32
    %scan3A_36 = arith.constant 4 : i32
    %scan3A_37 = arith.addi %scan3A_35, %scan3A_36 : i32
    %scan3A_38 = arith.constant 1 : i32
    scf.for %scan3A_79 = %scan3A_35 to %scan3A_37 step %scan3A_38  : i32 {
      %rem3A_80 = arith.constant 2 : i32
      %rem3A_81 = arith.remsi %scan3A_79, %rem3A_80 : i32
      %ge3A = arith.constant 2 : i32
      %ge3A_82 = arith.cmpi sge, %scan3A_79, %ge3A : i32
      %convert_element_type3A = arith.extui %ge3A_82 : i1 to i32
      %cond3A = arith.constant 0 : i32
      %cond3A_83 = arith.cmpi ne, %convert_element_type3A, %cond3A : i32
      scf.if %cond3A_83 {
        %sub3A_130 = arith.constant 2 : i32
        %sub3A_131 = arith.subi %scan3A_79, %sub3A_130 : i32
        %mul3A_132 = arith.constant 128 : i32
        %mul3A_133 = arith.muli %sub3A_131, %mul3A_132 : i32
        %add3A_134 = arith.addi %mul3A_34, %mul3A_133 : i32
        %dma_wait3A_135 = arith.constant 0 : i32
        %dma_wait3A_136 = arith.constant 0 : i32
        %dma_wait3A_137 = tpu.memref_slice %arg7[%rem3A_81, %dma_wait3A_135, %dma_wait3A_136] : memref<2x128x32xf32, #tpu.memory_space<vmem>> -> memref<1x128x32xf32, #tpu.memory_space<vmem>>
        %dma_wait3A_138 = tpu.memref_squeeze %dma_wait3A_137 : memref<1x128x32xf32, #tpu.memory_space<vmem>> -> memref<128x32xf32, #tpu.memory_space<vmem>>
        %dma_wait3A_139 = arith.constant 0 : i32
        %dma_wait3A_140 = tpu.memref_slice %arg4[%select_n3A, %add3A_134, %dma_wait3A_139] : memref<1x16384x32xf32, #tpu.memory_space<hbm>> -> memref<1x128x32xf32, #tpu.memory_space<hbm>>
        %dma_wait3A_141 = tpu.memref_squeeze %dma_wait3A_140 : memref<1x128x32xf32, #tpu.memory_space<hbm>> -> memref<128x32xf32, #tpu.memory_space<hbm>>
        %dma_wait3A_142 = tpu.memref_slice %arg9[%rem3A_81] : memref<2x!tpu.dma_semaphore, #tpu.memory_space<semaphore_mem>> -> memref<1x!tpu.dma_semaphore, #tpu.memory_space<semaphore_mem>>
        %dma_wait3A_143 = tpu.memref_squeeze %dma_wait3A_142 : memref<1x!tpu.dma_semaphore, #tpu.memory_space<semaphore_mem>> -> memref<!tpu.dma_semaphore, #tpu.memory_space<semaphore_mem>>
        %dma_wait3A_144 = arith.constant 0 : i32
        %dma_wait3A_145 = tpu.memref_slice %arg4[%select_n3A, %add3A_134, %dma_wait3A_144] : memref<1x16384x32xf32, #tpu.memory_space<hbm>> -> memref<1x128x32xf32, #tpu.memory_space<hbm>>
        %dma_wait3A_146 = tpu.memref_squeeze %dma_wait3A_145 : memref<1x128x32xf32, #tpu.memory_space<hbm>> -> memref<128x32xf32, #tpu.memory_space<hbm>>
        %dma_wait3A_147 = arith.constant 0 : i32
        %dma_wait3A_148 = arith.constant 0 : i32
        %dma_wait3A_149 = tpu.memref_slice %arg7[%rem3A_81, %dma_wait3A_147, %dma_wait3A_148] : memref<2x128x32xf32, #tpu.memory_space<vmem>> -> memref<1x128x32xf32, #tpu.memory_space<vmem>>
        %dma_wait3A_150 = tpu.memref_squeeze %dma_wait3A_149 : memref<1x128x32xf32, #tpu.memory_space<vmem>> -> memref<128x32xf32, #tpu.memory_space<vmem>>
        tpu.wait_dma2 semaphore(%dma_wait3A_143 : memref<!tpu.dma_semaphore, #tpu.memory_space<semaphore_mem>>) src(%dma_wait3A_150 : memref<128x32xf32, #tpu.memory_space<vmem>>) dst(%dma_wait3A_146 : memref<128x32xf32, #tpu.memory_space<hbm>>)
      } else {
      }
      %mul3A_84 = arith.constant 128 : i32
      %mul3A_85 = arith.muli %scan3A_79, %mul3A_84 : i32
      %dma_start3A = arith.constant 0 : i32
      %dma_start3A_86 = arith.constant 0 : i32
      %dma_start3A_87 = tpu.memref_slice %arg6[%rem3A_81, %dma_start3A, %dma_start3A_86] : memref<2x128x128xf32, #tpu.memory_space<vmem>> -> memref<1x128x128xf32, #tpu.memory_space<vmem>>
      %dma_start3A_88 = tpu.memref_squeeze %dma_start3A_87 : memref<1x128x128xf32, #tpu.memory_space<vmem>> -> memref<128x128xf32, #tpu.memory_space<vmem>>
      %dma_start3A_89 = tpu.memref_slice %arg5[%mul3A_85] : memref<512xi32, #tpu.memory_space<vmem>> -> memref<128xi32, #tpu.memory_space<vmem>>
      %dma_start3A_90 = arith.constant 0 : i32
      %dma_start3A_91 = arith.constant 0 : i32
      %dma_start3A_92 = tpu.memref_slice %arg2[%dma_start3A_90, %dma_start3A_91] : memref<1000x128xf32, #tpu.memory_space<hbm>> -> memref<1000x128xf32, #tpu.memory_space<hbm>>
      %dma_start3A_93 = tpu.memref_slice %arg8[%rem3A_81] : memref<2x!tpu.dma_semaphore, #tpu.memory_space<semaphore_mem>> -> memref<1x!tpu.dma_semaphore, #tpu.memory_space<semaphore_mem>>
      %dma_start3A_94 = tpu.memref_squeeze %dma_start3A_93 : memref<1x!tpu.dma_semaphore, #tpu.memory_space<semaphore_mem>> -> memref<!tpu.dma_semaphore, #tpu.memory_space<semaphore_mem>>
      tpu.enqueue_indirect_dma source(%dma_start3A_92 : memref<1000x128xf32, #tpu.memory_space<hbm>>) target(%dma_start3A_88 : memref<128x128xf32, #tpu.memory_space<vmem>>) offsets(%dma_start3A_89 : memref<128xi32, #tpu.memory_space<vmem>>) semaphore(%dma_start3A_94 : memref<!tpu.dma_semaphore, #tpu.memory_space<semaphore_mem>>)
      %dma_wait3A_95 = arith.constant 0 : i32
      %dma_wait3A_96 = arith.constant 0 : i32
      %dma_wait3A_97 = tpu.memref_slice %arg6[%rem3A_81, %dma_wait3A_95, %dma_wait3A_96] : memref<2x128x128xf32, #tpu.memory_space<vmem>> -> memref<1x128x128xf32, #tpu.memory_space<vmem>>
      %dma_wait3A_98 = tpu.memref_squeeze %dma_wait3A_97 : memref<1x128x128xf32, #tpu.memory_space<vmem>> -> memref<128x128xf32, #tpu.memory_space<vmem>>
      %dma_wait3A_99 = tpu.memref_slice %arg5[%mul3A_85] : memref<512xi32, #tpu.memory_space<vmem>> -> memref<128xi32, #tpu.memory_space<vmem>>
      %dma_wait3A_100 = arith.constant 0 : i32
      %dma_wait3A_101 = arith.constant 0 : i32
      %dma_wait3A_102 = tpu.memref_slice %arg2[%dma_wait3A_100, %dma_wait3A_101] : memref<1000x128xf32, #tpu.memory_space<hbm>> -> memref<1000x128xf32, #tpu.memory_space<hbm>>
      %dma_wait3A_103 = tpu.memref_slice %arg8[%rem3A_81] : memref<2x!tpu.dma_semaphore, #tpu.memory_space<semaphore_mem>> -> memref<1x!tpu.dma_semaphore, #tpu.memory_space<semaphore_mem>>
      %dma_wait3A_104 = tpu.memref_squeeze %dma_wait3A_103 : memref<1x!tpu.dma_semaphore, #tpu.memory_space<semaphore_mem>> -> memref<!tpu.dma_semaphore, #tpu.memory_space<semaphore_mem>>
      tpu.wait_indirect_dma semaphore(%dma_wait3A_104 : memref<!tpu.dma_semaphore, #tpu.memory_space<semaphore_mem>>) src(%dma_wait3A_102 : memref<1000x128xf32, #tpu.memory_space<hbm>>) dst(%dma_wait3A_98 : memref<128x128xf32, #tpu.memory_space<vmem>>)
      %scan3A_105 = arith.constant 0 : i32
      %scan3A_106 = arith.constant 0 : i32
      %scan3A_107 = arith.constant 128 : i32
      %scan3A_108 = arith.addi %scan3A_106, %scan3A_107 : i32
      %scan3A_109 = arith.constant 1 : i32
      scf.for %scan3A_130 = %scan3A_106 to %scan3A_108 step %scan3A_109  : i32 {
        %get3A = arith.index_cast %rem3A_81 : i32 to index
        %get3A_131 = arith.index_cast %scan3A_130 : i32 to index
        %get3A_132 = arith.constant 0 : index
        %get3A_133 = tpu.vector_load %arg6[%get3A, %get3A_131, %get3A_132] {strides = array<i32>} : memref<2x128x128xf32, #tpu.memory_space<vmem>>, vector<1x1x16xf32>,
        %get3A_134 = vector.shape_cast %get3A_133 : vector<1x1x16xf32> to vector<16xf32>
        %swap3A = arith.index_cast %rem3A_81 : i32 to index
        %swap3A_135 = arith.index_cast %scan3A_130 : i32 to index
        %swap3A_136 = arith.constant 0 : index
        %swap3A_137 = tpu.vector_load %arg7[%swap3A, %swap3A_135, %swap3A_136] {strides = array<i32>} : memref<2x128x32xf32, #tpu.memory_space<vmem>>, vector<1x1x16xf32>,
        %swap3A_138 = vector.shape_cast %swap3A_137 : vector<1x1x16xf32> to vector<16xf32>
        %swap3A_139 = vector.shape_cast %get3A_134 : vector<16xf32> to vector<1x1x16xf32>
        tpu.vector_store %arg7[%swap3A, %swap3A_135, %swap3A_136], %swap3A_139 {strides = array<i32>} : memref<2x128x32xf32, #tpu.memory_space<vmem>>, vector<1x1x16xf32>,
        %get3A_140 = arith.index_cast %rem3A_81 : i32 to index
        %get3A_141 = arith.index_cast %scan3A_130 : i32 to index
        %get3A_142 = arith.constant 16 : index
        %get3A_143 = tpu.vector_load %arg6[%get3A_140, %get3A_141, %get3A_142] {strides = array<i32>} : memref<2x128x128xf32, #tpu.memory_space<vmem>>, vector<1x1x16xf32>,
        %get3A_144 = vector.shape_cast %get3A_143 : vector<1x1x16xf32> to vector<16xf32>
        %swap3A_145 = arith.index_cast %rem3A_81 : i32 to index
        %swap3A_146 = arith.index_cast %scan3A_130 : i32 to index
        %swap3A_147 = arith.constant 16 : index
        %swap3A_148 = tpu.vector_load %arg7[%swap3A_145, %swap3A_146, %swap3A_147] {strides = array<i32>} : memref<2x128x32xf32, #tpu.memory_space<vmem>>, vector<1x1x16xf32>,
        %swap3A_149 = vector.shape_cast %swap3A_148 : vector<1x1x16xf32> to vector<16xf32>
        %swap3A_150 = vector.shape_cast %get3A_144 : vector<16xf32> to vector<1x1x16xf32>
        tpu.vector_store %arg7[%swap3A_145, %swap3A_146, %swap3A_147], %swap3A_150 {strides = array<i32>} : memref<2x128x32xf32, #tpu.memory_space<vmem>>, vector<1x1x16xf32>,
      }
      %scan3A_110 = arith.constant 128 : i32
      %mul3A_111 = arith.constant 128 : i32
      %mul3A_112 = arith.muli %scan3A_79, %mul3A_111 : i32
      %add3A_113 = arith.addi %mul3A_34, %mul3A_112 : i32
      %dma_start3A_114 = arith.constant 0 : i32
      %dma_start3A_115 = arith.constant 0 : i32
      %dma_start3A_116 = tpu.memref_slice %arg7[%rem3A_81, %dma_start3A_114, %dma_start3A_115] : memref<2x128x32xf32, #tpu.memory_space<vmem>> -> memref<1x128x32xf32, #tpu.memory_space<vmem>>
      %dma_start3A_117 = tpu.memref_squeeze %dma_start3A_116 : memref<1x128x32xf32, #tpu.memory_space<vmem>> -> memref<128x32xf32, #tpu.memory_space<vmem>>
      %dma_start3A_118 = arith.constant 0 : i32
      %dma_start3A_119 = tpu.memref_slice %arg4[%select_n3A, %add3A_113, %dma_start3A_118] : memref<1x16384x32xf32, #tpu.memory_space<hbm>> -> memref<1x128x32xf32, #tpu.memory_space<hbm>>
      %dma_start3A_120 = tpu.memref_squeeze %dma_start3A_119 : memref<1x128x32xf32, #tpu.memory_space<hbm>> -> memref<128x32xf32, #tpu.memory_space<hbm>>
      %dma_start3A_121 = tpu.memref_slice %arg9[%rem3A_81] : memref<2x!tpu.dma_semaphore, #tpu.memory_space<semaphore_mem>> -> memref<1x!tpu.dma_semaphore, #tpu.memory_space<semaphore_mem>>
      %dma_start3A_122 = tpu.memref_squeeze %dma_start3A_121 : memref<1x!tpu.dma_semaphore, #tpu.memory_space<semaphore_mem>> -> memref<!tpu.dma_semaphore, #tpu.memory_space<semaphore_mem>>
      %dma_start3A_123 = arith.constant 0 : i32
      %dma_start3A_124 = tpu.memref_slice %arg4[%select_n3A, %add3A_113, %dma_start3A_123] : memref<1x16384x32xf32, #tpu.memory_space<hbm>> -> memref<1x128x32xf32, #tpu.memory_space<hbm>>
      %dma_start3A_125 = tpu.memref_squeeze %dma_start3A_124 : memref<1x128x32xf32, #tpu.memory_space<hbm>> -> memref<128x32xf32, #tpu.memory_space<hbm>>
      %dma_start3A_126 = arith.constant 0 : i32
      %dma_start3A_127 = arith.constant 0 : i32
      %dma_start3A_128 = tpu.memref_slice %arg7[%rem3A_81, %dma_start3A_126, %dma_start3A_127] : memref<2x128x32xf32, #tpu.memory_space<vmem>> -> memref<1x128x32xf32, #tpu.memory_space<vmem>>
      %dma_start3A_129 = tpu.memref_squeeze %dma_start3A_128 : memref<1x128x32xf32, #tpu.memory_space<vmem>> -> memref<128x32xf32, #tpu.memory_space<vmem>>
      tpu.enqueue_dma source(%dma_start3A_129 : memref<128x32xf32, #tpu.memory_space<vmem>>) target(%dma_start3A_125 : memref<128x32xf32, #tpu.memory_space<hbm>>) target_semaphore(%dma_start3A_122 : memref<!tpu.dma_semaphore, #tpu.memory_space<semaphore_mem>>)
    }
    %scan3A_39 = arith.constant 4 : i32
    %add3A_40 = arith.constant 256 : i32
    %add3A_41 = arith.addi %mul3A_34, %add3A_40 : i32
    %dma_wait3A = arith.constant 0 : i32
    %dma_wait3A_42 = arith.constant 0 : i32
    %dma_wait3A_43 = arith.constant 0 : i32
    %dma_wait3A_44 = arith.constant 0 : i32
    %dma_wait3A_45 = tpu.memref_slice %arg7[%dma_wait3A, %dma_wait3A_43, %dma_wait3A_44] : memref<2x128x32xf32, #tpu.memory_space<vmem>> -> memref<1x128x32xf32, #tpu.memory_space<vmem>>
    %dma_wait3A_46 = tpu.memref_squeeze %dma_wait3A_45 : memref<1x128x32xf32, #tpu.memory_space<vmem>> -> memref<128x32xf32, #tpu.memory_space<vmem>>
    %dma_wait3A_47 = arith.constant 0 : i32
    %dma_wait3A_48 = tpu.memref_slice %arg4[%select_n3A, %add3A_41, %dma_wait3A_47] : memref<1x16384x32xf32, #tpu.memory_space<hbm>> -> memref<1x128x32xf32, #tpu.memory_space<hbm>>
    %dma_wait3A_49 = tpu.memref_squeeze %dma_wait3A_48 : memref<1x128x32xf32, #tpu.memory_space<hbm>> -> memref<128x32xf32, #tpu.memory_space<hbm>>
    %dma_wait3A_50 = tpu.memref_slice %arg9[%dma_wait3A_42] : memref<2x!tpu.dma_semaphore, #tpu.memory_space<semaphore_mem>> -> memref<1x!tpu.dma_semaphore, #tpu.memory_space<semaphore_mem>>
    %dma_wait3A_51 = tpu.memref_squeeze %dma_wait3A_50 : memref<1x!tpu.dma_semaphore, #tpu.memory_space<semaphore_mem>> -> memref<!tpu.dma_semaphore, #tpu.memory_space<semaphore_mem>>
    %dma_wait3A_52 = arith.constant 0 : i32
    %dma_wait3A_53 = tpu.memref_slice %arg4[%select_n3A, %add3A_41, %dma_wait3A_52] : memref<1x16384x32xf32, #tpu.memory_space<hbm>> -> memref<1x128x32xf32, #tpu.memory_space<hbm>>
    %dma_wait3A_54 = tpu.memref_squeeze %dma_wait3A_53 : memref<1x128x32xf32, #tpu.memory_space<hbm>> -> memref<128x32xf32, #tpu.memory_space<hbm>>
    %dma_wait3A_55 = arith.constant 0 : i32
    %dma_wait3A_56 = arith.constant 0 : i32
    %dma_wait3A_57 = tpu.memref_slice %arg7[%dma_wait3A, %dma_wait3A_55, %dma_wait3A_56] : memref<2x128x32xf32, #tpu.memory_space<vmem>> -> memref<1x128x32xf32, #tpu.memory_space<vmem>>
    %dma_wait3A_58 = tpu.memref_squeeze %dma_wait3A_57 : memref<1x128x32xf32, #tpu.memory_space<vmem>> -> memref<128x32xf32, #tpu.memory_space<vmem>>
    tpu.wait_dma2 semaphore(%dma_wait3A_51 : memref<!tpu.dma_semaphore, #tpu.memory_space<semaphore_mem>>) src(%dma_wait3A_58 : memref<128x32xf32, #tpu.memory_space<vmem>>) dst(%dma_wait3A_54 : memref<128x32xf32, #tpu.memory_space<hbm>>)
    %add3A_59 = arith.constant 384 : i32
    %add3A_60 = arith.addi %mul3A_34, %add3A_59 : i32
    %dma_wait3A_61 = arith.constant 1 : i32
    %dma_wait3A_62 = arith.constant 1 : i32
    %dma_wait3A_63 = arith.constant 0 : i32
    %dma_wait3A_64 = arith.constant 0 : i32
    %dma_wait3A_65 = tpu.memref_slice %arg7[%dma_wait3A_61, %dma_wait3A_63, %dma_wait3A_64] : memref<2x128x32xf32, #tpu.memory_space<vmem>> -> memref<1x128x32xf32, #tpu.memory_space<vmem>>
    %dma_wait3A_66 = tpu.memref_squeeze %dma_wait3A_65 : memref<1x128x32xf32, #tpu.memory_space<vmem>> -> memref<128x32xf32, #tpu.memory_space<vmem>>
    %dma_wait3A_67 = arith.constant 0 : i32
    %dma_wait3A_68 = tpu.memref_slice %arg4[%select_n3A, %add3A_60, %dma_wait3A_67] : memref<1x16384x32xf32, #tpu.memory_space<hbm>> -> memref<1x128x32xf32, #tpu.memory_space<hbm>>
    %dma_wait3A_69 = tpu.memref_squeeze %dma_wait3A_68 : memref<1x128x32xf32, #tpu.memory_space<hbm>> -> memref<128x32xf32, #tpu.memory_space<hbm>>
    %dma_wait3A_70 = tpu.memref_slice %arg9[%dma_wait3A_62] : memref<2x!tpu.dma_semaphore, #tpu.memory_space<semaphore_mem>> -> memref<1x!tpu.dma_semaphore, #tpu.memory_space<semaphore_mem>>
    %dma_wait3A_71 = tpu.memref_squeeze %dma_wait3A_70 : memref<1x!tpu.dma_semaphore, #tpu.memory_space<semaphore_mem>> -> memref<!tpu.dma_semaphore, #tpu.memory_space<semaphore_mem>>
    %dma_wait3A_72 = arith.constant 0 : i32
    %dma_wait3A_73 = tpu.memref_slice %arg4[%select_n3A, %add3A_60, %dma_wait3A_72] : memref<1x16384x32xf32, #tpu.memory_space<hbm>> -> memref<1x128x32xf32, #tpu.memory_space<hbm>>
    %dma_wait3A_74 = tpu.memref_squeeze %dma_wait3A_73 : memref<1x128x32xf32, #tpu.memory_space<hbm>> -> memref<128x32xf32, #tpu.memory_space<hbm>>
    %dma_wait3A_75 = arith.constant 0 : i32
    %dma_wait3A_76 = arith.constant 0 : i32
    %dma_wait3A_77 = tpu.memref_slice %arg7[%dma_wait3A_61, %dma_wait3A_75, %dma_wait3A_76] : memref<2x128x32xf32, #tpu.memory_space<vmem>> -> memref<1x128x32xf32, #tpu.memory_space<vmem>>
    %dma_wait3A_78 = tpu.memref_squeeze %dma_wait3A_77 : memref<1x128x32xf32, #tpu.memory_space<vmem>> -> memref<128x32xf32, #tpu.memory_space<vmem>>
    tpu.wait_dma2 semaphore(%dma_wait3A_71 : memref<!tpu.dma_semaphore, #tpu.memory_space<semaphore_mem>>) src(%dma_wait3A_78 : memref<128x32xf32, #tpu.memory_space<vmem>>) dst(%dma_wait3A_74 : memref<128x32xf32, #tpu.memory_space<hbm>>)
    return
  }
}

#map = affine_map<(d0, d1) -> (0, 0)>
#map1 = affine_map<(d0, d1) -> (0)>
#map2 = affine_map<(d0, d1) -> (0, 0, 0)>
module attributes {stable_mosaic.version = 14 : i64} {
  func.func @gather_kernel(%arg0: i32, %arg1: i32, %arg2: memref<1000x128xf32, #tpu.memory_space<hbm>>, %arg3: memref<32768xi32, #tpu.memory_space<hbm>>, %arg4: memref<2x16384x32xf32, #tpu.memory_space<hbm>>, %arg5: memref<1024xi32, #tpu.memory_space<vmem>>, %arg6: memref<2x128x128xf32, #tpu.memory_space<vmem>>, %arg7: memref<2x128x32xf32, #tpu.memory_space<vmem>>, %arg8: memref<2x!tpu.dma_semaphore, #tpu.memory_space<semaphore_mem>>, %arg9: memref<2x!tpu.dma_semaphore, #tpu.memory_space<semaphore_mem>>) attributes {dimension_semantics = [#tpu.dimension_semantics<core_parallel>, #tpu.dimension_semantics<subcore_parallel>], iteration_bounds = array<i64: 2, 16>, scalar_prefetch = 0 : i64, scratch_operands = 5 : i64, tpu.core_type = #tpu.core_type<sc_vector_subcore>, window_params = [{transform_indices = #map}, {transform_indices = #map1}, {transform_indices = #map2}]} {
    %mul3A = arith.constant 2 : i32
    %mul3A_0 = arith.muli %arg1, %mul3A : i32
    %add3A = arith.addi %mul3A_0, %arg0 : i32
    %mul3A_1 = arith.constant 1024 : i32
    %mul3A_2 = arith.muli %add3A, %mul3A_1 : i32
    %jit3A = arith.constant 16 : i32
    %div3A = arith.divsi %add3A, %jit3A : i32
    %sign3A = arith.constant 0 : i32
    %sign3A_3 = arith.cmpi sgt, %add3A, %sign3A : i32
    %sign3A_4 = arith.extui %sign3A_3 : i1 to i32
    %sign3A_5 = arith.constant 0 : i32
    %sign3A_6 = arith.cmpi slt, %add3A, %sign3A_5 : i32
    %sign3A_7 = arith.extui %sign3A_6 : i1 to i32
    %sign3A_8 = arith.subi %sign3A_4, %sign3A_7 : i32
    %sign3A_9 = arith.constant 0 : i32
    %sign3A_10 = arith.cmpi sgt, %jit3A, %sign3A_9 : i32
    %sign3A_11 = arith.extui %sign3A_10 : i1 to i32
    %sign3A_12 = arith.constant 0 : i32
    %sign3A_13 = arith.cmpi slt, %jit3A, %sign3A_12 : i32
    %sign3A_14 = arith.extui %sign3A_13 : i1 to i32
    %sign3A_15 = arith.subi %sign3A_11, %sign3A_14 : i32
    %ne3A = arith.cmpi ne, %sign3A_8, %sign3A_15 : i32
    %rem3A = arith.remsi %add3A, %jit3A : i32
    %ne3A_16 = arith.constant 0 : i32
    %ne3A_17 = arith.cmpi ne, %rem3A, %ne3A_16 : i32
    %and3A = arith.andi %ne3A, %ne3A_17 : i1
    %sub3A = arith.constant 1 : i32
    %sub3A_18 = arith.subi %div3A, %sub3A : i32
    %select_n3A = arith.select %and3A, %sub3A_18, %div3A : i32
    %jit3A_19 = arith.constant 16 : i32
    %eq3A = arith.constant 0 : i32
    %eq3A_20 = arith.cmpi eq, %jit3A_19, %eq3A : i32
    %jit3A_21 = arith.constant 1 : i32
    %select_n3A_22 = arith.select %eq3A_20, %jit3A_21, %jit3A_19 : i32
    %rem3A_23 = arith.remsi %add3A, %select_n3A_22 : i32
    %ne3A_24 = arith.constant 0 : i32
    %ne3A_25 = arith.cmpi ne, %rem3A_23, %ne3A_24 : i32
    %lt3A = arith.constant 0 : i32
    %lt3A_26 = arith.cmpi slt, %rem3A_23, %lt3A : i32
    %lt3A_27 = arith.constant 0 : i32
    %lt3A_28 = arith.cmpi slt, %select_n3A_22, %lt3A_27 : i32
    %ne3A_29 = arith.xori %lt3A_26, %lt3A_28 : i1
    %and3A_30 = arith.andi %ne3A_29, %ne3A_25 : i1
    %add3A_31 = arith.addi %rem3A_23, %select_n3A_22 : i32
    %select_n3A_32 = arith.select %and3A_30, %add3A_31, %rem3A_23 : i32
    %mul3A_33 = arith.constant 1024 : i32
    %mul3A_34 = arith.muli %select_n3A_32, %mul3A_33 : i32
    "tpu.region"() ({
      %run_scoped3A = tpu.sem_alloc : memref<!tpu.dma_semaphore, #tpu.memory_space<semaphore_mem>>
      %dma_start3A = tpu.memref_slice %arg3[%mul3A_2] : memref<32768xi32, #tpu.memory_space<hbm>> -> memref<1024xi32, #tpu.memory_space<hbm>>
      %dma_start3A_79 = tpu.memref_slice %arg3[%mul3A_2] : memref<32768xi32, #tpu.memory_space<hbm>> -> memref<1024xi32, #tpu.memory_space<hbm>>
      tpu.enqueue_dma source(%dma_start3A_79 : memref<1024xi32, #tpu.memory_space<hbm>>) target(%arg5 : memref<1024xi32, #tpu.memory_space<vmem>>) target_semaphore(%run_scoped3A : memref<!tpu.dma_semaphore, #tpu.memory_space<semaphore_mem>>)
      %dma_wait3A_80 = tpu.memref_slice %arg3[%mul3A_2] : memref<32768xi32, #tpu.memory_space<hbm>> -> memref<1024xi32, #tpu.memory_space<hbm>>
      %dma_wait3A_81 = tpu.memref_slice %arg3[%mul3A_2] : memref<32768xi32, #tpu.memory_space<hbm>> -> memref<1024xi32, #tpu.memory_space<hbm>>
      tpu.wait_dma2 semaphore(%run_scoped3A : memref<!tpu.dma_semaphore, #tpu.memory_space<semaphore_mem>>) src(%dma_wait3A_81 : memref<1024xi32, #tpu.memory_space<hbm>>) dst(%arg5 : memref<1024xi32, #tpu.memory_space<vmem>>)
      tpu.yield
    }) : () -> ()
    %scan3A = arith.constant 0 : i32
    %scan3A_35 = arith.constant 0 : i32
    %scan3A_36 = arith.constant 8 : i32
    %scan3A_37 = arith.addi %scan3A_35, %scan3A_36 : i32
    %scan3A_38 = arith.constant 1 : i32
    scf.for %scan3A_79 = %scan3A_35 to %scan3A_37 step %scan3A_38  : i32 {
      %rem3A_80 = arith.constant 2 : i32
      %rem3A_81 = arith.remsi %scan3A_79, %rem3A_80 : i32
      %ge3A = arith.constant 2 : i32
      %ge3A_82 = arith.cmpi sge, %scan3A_79, %ge3A : i32
      %convert_element_type3A = arith.extui %ge3A_82 : i1 to i32
      %cond3A = arith.constant 0 : i32
      %cond3A_83 = arith.cmpi ne, %convert_element_type3A, %cond3A : i32
      scf.if %cond3A_83 {
        %sub3A_130 = arith.constant 2 : i32
        %sub3A_131 = arith.subi %scan3A_79, %sub3A_130 : i32
        %mul3A_132 = arith.constant 128 : i32
        %mul3A_133 = arith.muli %sub3A_131, %mul3A_132 : i32
        %add3A_134 = arith.addi %mul3A_34, %mul3A_133 : i32
        %dma_wait3A_135 = arith.constant 0 : i32
        %dma_wait3A_136 = arith.constant 0 : i32
        %dma_wait3A_137 = tpu.memref_slice %arg7[%rem3A_81, %dma_wait3A_135, %dma_wait3A_136] : memref<2x128x32xf32, #tpu.memory_space<vmem>> -> memref<1x128x32xf32, #tpu.memory_space<vmem>>
        %dma_wait3A_138 = tpu.memref_squeeze %dma_wait3A_137 : memref<1x128x32xf32, #tpu.memory_space<vmem>> -> memref<128x32xf32, #tpu.memory_space<vmem>>
        %dma_wait3A_139 = arith.constant 0 : i32
        %dma_wait3A_140 = tpu.memref_slice %arg4[%select_n3A, %add3A_134, %dma_wait3A_139] : memref<2x16384x32xf32, #tpu.memory_space<hbm>> -> memref<1x128x32xf32, #tpu.memory_space<hbm>>
        %dma_wait3A_141 = tpu.memref_squeeze %dma_wait3A_140 : memref<1x128x32xf32, #tpu.memory_space<hbm>> -> memref<128x32xf32, #tpu.memory_space<hbm>>
        %dma_wait3A_142 = tpu.memref_slice %arg9[%rem3A_81] : memref<2x!tpu.dma_semaphore, #tpu.memory_space<semaphore_mem>> -> memref<1x!tpu.dma_semaphore, #tpu.memory_space<semaphore_mem>>
        %dma_wait3A_143 = tpu.memref_squeeze %dma_wait3A_142 : memref<1x!tpu.dma_semaphore, #tpu.memory_space<semaphore_mem>> -> memref<!tpu.dma_semaphore, #tpu.memory_space<semaphore_mem>>
        %dma_wait3A_144 = arith.constant 0 : i32
        %dma_wait3A_145 = tpu.memref_slice %arg4[%select_n3A, %add3A_134, %dma_wait3A_144] : memref<2x16384x32xf32, #tpu.memory_space<hbm>> -> memref<1x128x32xf32, #tpu.memory_space<hbm>>
        %dma_wait3A_146 = tpu.memref_squeeze %dma_wait3A_145 : memref<1x128x32xf32, #tpu.memory_space<hbm>> -> memref<128x32xf32, #tpu.memory_space<hbm>>
        %dma_wait3A_147 = arith.constant 0 : i32
        %dma_wait3A_148 = arith.constant 0 : i32
        %dma_wait3A_149 = tpu.memref_slice %arg7[%rem3A_81, %dma_wait3A_147, %dma_wait3A_148] : memref<2x128x32xf32, #tpu.memory_space<vmem>> -> memref<1x128x32xf32, #tpu.memory_space<vmem>>
        %dma_wait3A_150 = tpu.memref_squeeze %dma_wait3A_149 : memref<1x128x32xf32, #tpu.memory_space<vmem>> -> memref<128x32xf32, #tpu.memory_space<vmem>>
        tpu.wait_dma2 semaphore(%dma_wait3A_143 : memref<!tpu.dma_semaphore, #tpu.memory_space<semaphore_mem>>) src(%dma_wait3A_150 : memref<128x32xf32, #tpu.memory_space<vmem>>) dst(%dma_wait3A_146 : memref<128x32xf32, #tpu.memory_space<hbm>>)
      } else {
      }
      %mul3A_84 = arith.constant 128 : i32
      %mul3A_85 = arith.muli %scan3A_79, %mul3A_84 : i32
      %dma_start3A = arith.constant 0 : i32
      %dma_start3A_86 = arith.constant 0 : i32
      %dma_start3A_87 = tpu.memref_slice %arg6[%rem3A_81, %dma_start3A, %dma_start3A_86] : memref<2x128x128xf32, #tpu.memory_space<vmem>> -> memref<1x128x128xf32, #tpu.memory_space<vmem>>
      %dma_start3A_88 = tpu.memref_squeeze %dma_start3A_87 : memref<1x128x128xf32, #tpu.memory_space<vmem>> -> memref<128x128xf32, #tpu.memory_space<vmem>>
      %dma_start3A_89 = tpu.memref_slice %arg5[%mul3A_85] : memref<1024xi32, #tpu.memory_space<vmem>> -> memref<128xi32, #tpu.memory_space<vmem>>
      %dma_start3A_90 = arith.constant 0 : i32
      %dma_start3A_91 = arith.constant 0 : i32
      %dma_start3A_92 = tpu.memref_slice %arg2[%dma_start3A_90, %dma_start3A_91] : memref<1000x128xf32, #tpu.memory_space<hbm>> -> memref<1000x128xf32, #tpu.memory_space<hbm>>
      %dma_start3A_93 = tpu.memref_slice %arg8[%rem3A_81] : memref<2x!tpu.dma_semaphore, #tpu.memory_space<semaphore_mem>> -> memref<1x!tpu.dma_semaphore, #tpu.memory_space<semaphore_mem>>
      %dma_start3A_94 = tpu.memref_squeeze %dma_start3A_93 : memref<1x!tpu.dma_semaphore, #tpu.memory_space<semaphore_mem>> -> memref<!tpu.dma_semaphore, #tpu.memory_space<semaphore_mem>>
      tpu.enqueue_indirect_dma source(%dma_start3A_92 : memref<1000x128xf32, #tpu.memory_space<hbm>>) target(%dma_start3A_88 : memref<128x128xf32, #tpu.memory_space<vmem>>) offsets(%dma_start3A_89 : memref<128xi32, #tpu.memory_space<vmem>>) semaphore(%dma_start3A_94 : memref<!tpu.dma_semaphore, #tpu.memory_space<semaphore_mem>>)
      %dma_wait3A_95 = arith.constant 0 : i32
      %dma_wait3A_96 = arith.constant 0 : i32
      %dma_wait3A_97 = tpu.memref_slice %arg6[%rem3A_81, %dma_wait3A_95, %dma_wait3A_96] : memref<2x128x128xf32, #tpu.memory_space<vmem>> -> memref<1x128x128xf32, #tpu.memory_space<vmem>>
      %dma_wait3A_98 = tpu.memref_squeeze %dma_wait3A_97 : memref<1x128x128xf32, #tpu.memory_space<vmem>> -> memref<128x128xf32, #tpu.memory_space<vmem>>
      %dma_wait3A_99 = tpu.memref_slice %arg5[%mul3A_85] : memref<1024xi32, #tpu.memory_space<vmem>> -> memref<128xi32, #tpu.memory_space<vmem>>
      %dma_wait3A_100 = arith.constant 0 : i32
      %dma_wait3A_101 = arith.constant 0 : i32
      %dma_wait3A_102 = tpu.memref_slice %arg2[%dma_wait3A_100, %dma_wait3A_101] : memref<1000x128xf32, #tpu.memory_space<hbm>> -> memref<1000x128xf32, #tpu.memory_space<hbm>>
      %dma_wait3A_103 = tpu.memref_slice %arg8[%rem3A_81] : memref<2x!tpu.dma_semaphore, #tpu.memory_space<semaphore_mem>> -> memref<1x!tpu.dma_semaphore, #tpu.memory_space<semaphore_mem>>
      %dma_wait3A_104 = tpu.memref_squeeze %dma_wait3A_103 : memref<1x!tpu.dma_semaphore, #tpu.memory_space<semaphore_mem>> -> memref<!tpu.dma_semaphore, #tpu.memory_space<semaphore_mem>>
      tpu.wait_indirect_dma semaphore(%dma_wait3A_104 : memref<!tpu.dma_semaphore, #tpu.memory_space<semaphore_mem>>) src(%dma_wait3A_102 : memref<1000x128xf32, #tpu.memory_space<hbm>>) dst(%dma_wait3A_98 : memref<128x128xf32, #tpu.memory_space<vmem>>)
      %scan3A_105 = arith.constant 0 : i32
      %scan3A_106 = arith.constant 0 : i32
      %scan3A_107 = arith.constant 128 : i32
      %scan3A_108 = arith.addi %scan3A_106, %scan3A_107 : i32
      %scan3A_109 = arith.constant 1 : i32
      scf.for %scan3A_130 = %scan3A_106 to %scan3A_108 step %scan3A_109  : i32 {
        %get3A = arith.index_cast %rem3A_81 : i32 to index
        %get3A_131 = arith.index_cast %scan3A_130 : i32 to index
        %get3A_132 = arith.constant 0 : index
        %get3A_133 = tpu.vector_load %arg6[%get3A, %get3A_131, %get3A_132] {strides = array<i32>} : memref<2x128x128xf32, #tpu.memory_space<vmem>>, vector<1x1x16xf32>,
        %get3A_134 = vector.shape_cast %get3A_133 : vector<1x1x16xf32> to vector<16xf32>
        %swap3A = arith.index_cast %rem3A_81 : i32 to index
        %swap3A_135 = arith.index_cast %scan3A_130 : i32 to index
        %swap3A_136 = arith.constant 0 : index
        %swap3A_137 = tpu.vector_load %arg7[%swap3A, %swap3A_135, %swap3A_136] {strides = array<i32>} : memref<2x128x32xf32, #tpu.memory_space<vmem>>, vector<1x1x16xf32>,
        %swap3A_138 = vector.shape_cast %swap3A_137 : vector<1x1x16xf32> to vector<16xf32>
        %swap3A_139 = vector.shape_cast %get3A_134 : vector<16xf32> to vector<1x1x16xf32>
        tpu.vector_store %arg7[%swap3A, %swap3A_135, %swap3A_136], %swap3A_139 {strides = array<i32>} : memref<2x128x32xf32, #tpu.memory_space<vmem>>, vector<1x1x16xf32>,
        %get3A_140 = arith.index_cast %rem3A_81 : i32 to index
        %get3A_141 = arith.index_cast %scan3A_130 : i32 to index
        %get3A_142 = arith.constant 16 : index
        %get3A_143 = tpu.vector_load %arg6[%get3A_140, %get3A_141, %get3A_142] {strides = array<i32>} : memref<2x128x128xf32, #tpu.memory_space<vmem>>, vector<1x1x16xf32>,
        %get3A_144 = vector.shape_cast %get3A_143 : vector<1x1x16xf32> to vector<16xf32>
        %swap3A_145 = arith.index_cast %rem3A_81 : i32 to index
        %swap3A_146 = arith.index_cast %scan3A_130 : i32 to index
        %swap3A_147 = arith.constant 16 : index
        %swap3A_148 = tpu.vector_load %arg7[%swap3A_145, %swap3A_146, %swap3A_147] {strides = array<i32>} : memref<2x128x32xf32, #tpu.memory_space<vmem>>, vector<1x1x16xf32>,
        %swap3A_149 = vector.shape_cast %swap3A_148 : vector<1x1x16xf32> to vector<16xf32>
        %swap3A_150 = vector.shape_cast %get3A_144 : vector<16xf32> to vector<1x1x16xf32>
        tpu.vector_store %arg7[%swap3A_145, %swap3A_146, %swap3A_147], %swap3A_150 {strides = array<i32>} : memref<2x128x32xf32, #tpu.memory_space<vmem>>, vector<1x1x16xf32>,
      }
      %scan3A_110 = arith.constant 128 : i32
      %mul3A_111 = arith.constant 128 : i32
      %mul3A_112 = arith.muli %scan3A_79, %mul3A_111 : i32
      %add3A_113 = arith.addi %mul3A_34, %mul3A_112 : i32
      %dma_start3A_114 = arith.constant 0 : i32
      %dma_start3A_115 = arith.constant 0 : i32
      %dma_start3A_116 = tpu.memref_slice %arg7[%rem3A_81, %dma_start3A_114, %dma_start3A_115] : memref<2x128x32xf32, #tpu.memory_space<vmem>> -> memref<1x128x32xf32, #tpu.memory_space<vmem>>
      %dma_start3A_117 = tpu.memref_squeeze %dma_start3A_116 : memref<1x128x32xf32, #tpu.memory_space<vmem>> -> memref<128x32xf32, #tpu.memory_space<vmem>>
      %dma_start3A_118 = arith.constant 0 : i32
      %dma_start3A_119 = tpu.memref_slice %arg4[%select_n3A, %add3A_113, %dma_start3A_118] : memref<2x16384x32xf32, #tpu.memory_space<hbm>> -> memref<1x128x32xf32, #tpu.memory_space<hbm>>
      %dma_start3A_120 = tpu.memref_squeeze %dma_start3A_119 : memref<1x128x32xf32, #tpu.memory_space<hbm>> -> memref<128x32xf32, #tpu.memory_space<hbm>>
      %dma_start3A_121 = tpu.memref_slice %arg9[%rem3A_81] : memref<2x!tpu.dma_semaphore, #tpu.memory_space<semaphore_mem>> -> memref<1x!tpu.dma_semaphore, #tpu.memory_space<semaphore_mem>>
      %dma_start3A_122 = tpu.memref_squeeze %dma_start3A_121 : memref<1x!tpu.dma_semaphore, #tpu.memory_space<semaphore_mem>> -> memref<!tpu.dma_semaphore, #tpu.memory_space<semaphore_mem>>
      %dma_start3A_123 = arith.constant 0 : i32
      %dma_start3A_124 = tpu.memref_slice %arg4[%select_n3A, %add3A_113, %dma_start3A_123] : memref<2x16384x32xf32, #tpu.memory_space<hbm>> -> memref<1x128x32xf32, #tpu.memory_space<hbm>>
      %dma_start3A_125 = tpu.memref_squeeze %dma_start3A_124 : memref<1x128x32xf32, #tpu.memory_space<hbm>> -> memref<128x32xf32, #tpu.memory_space<hbm>>
      %dma_start3A_126 = arith.constant 0 : i32
      %dma_start3A_127 = arith.constant 0 : i32
      %dma_start3A_128 = tpu.memref_slice %arg7[%rem3A_81, %dma_start3A_126, %dma_start3A_127] : memref<2x128x32xf32, #tpu.memory_space<vmem>> -> memref<1x128x32xf32, #tpu.memory_space<vmem>>
      %dma_start3A_129 = tpu.memref_squeeze %dma_start3A_128 : memref<1x128x32xf32, #tpu.memory_space<vmem>> -> memref<128x32xf32, #tpu.memory_space<vmem>>
      tpu.enqueue_dma source(%dma_start3A_129 : memref<128x32xf32, #tpu.memory_space<vmem>>) target(%dma_start3A_125 : memref<128x32xf32, #tpu.memory_space<hbm>>) target_semaphore(%dma_start3A_122 : memref<!tpu.dma_semaphore, #tpu.memory_space<semaphore_mem>>)
    }
    %scan3A_39 = arith.constant 8 : i32
    %add3A_40 = arith.constant 768 : i32
    %add3A_41 = arith.addi %mul3A_34, %add3A_40 : i32
    %dma_wait3A = arith.constant 0 : i32
    %dma_wait3A_42 = arith.constant 0 : i32
    %dma_wait3A_43 = arith.constant 0 : i32
    %dma_wait3A_44 = arith.constant 0 : i32
    %dma_wait3A_45 = tpu.memref_slice %arg7[%dma_wait3A, %dma_wait3A_43, %dma_wait3A_44] : memref<2x128x32xf32, #tpu.memory_space<vmem>> -> memref<1x128x32xf32, #tpu.memory_space<vmem>>
    %dma_wait3A_46 = tpu.memref_squeeze %dma_wait3A_45 : memref<1x128x32xf32, #tpu.memory_space<vmem>> -> memref<128x32xf32, #tpu.memory_space<vmem>>
    %dma_wait3A_47 = arith.constant 0 : i32
    %dma_wait3A_48 = tpu.memref_slice %arg4[%select_n3A, %add3A_41, %dma_wait3A_47] : memref<2x16384x32xf32, #tpu.memory_space<hbm>> -> memref<1x128x32xf32, #tpu.memory_space<hbm>>
    %dma_wait3A_49 = tpu.memref_squeeze %dma_wait3A_48 : memref<1x128x32xf32, #tpu.memory_space<hbm>> -> memref<128x32xf32, #tpu.memory_space<hbm>>
    %dma_wait3A_50 = tpu.memref_slice %arg9[%dma_wait3A_42] : memref<2x!tpu.dma_semaphore, #tpu.memory_space<semaphore_mem>> -> memref<1x!tpu.dma_semaphore, #tpu.memory_space<semaphore_mem>>
    %dma_wait3A_51 = tpu.memref_squeeze %dma_wait3A_50 : memref<1x!tpu.dma_semaphore, #tpu.memory_space<semaphore_mem>> -> memref<!tpu.dma_semaphore, #tpu.memory_space<semaphore_mem>>
    %dma_wait3A_52 = arith.constant 0 : i32
    %dma_wait3A_53 = tpu.memref_slice %arg4[%select_n3A, %add3A_41, %dma_wait3A_52] : memref<2x16384x32xf32, #tpu.memory_space<hbm>> -> memref<1x128x32xf32, #tpu.memory_space<hbm>>
    %dma_wait3A_54 = tpu.memref_squeeze %dma_wait3A_53 : memref<1x128x32xf32, #tpu.memory_space<hbm>> -> memref<128x32xf32, #tpu.memory_space<hbm>>
    %dma_wait3A_55 = arith.constant 0 : i32
    %dma_wait3A_56 = arith.constant 0 : i32
    %dma_wait3A_57 = tpu.memref_slice %arg7[%dma_wait3A, %dma_wait3A_55, %dma_wait3A_56] : memref<2x128x32xf32, #tpu.memory_space<vmem>> -> memref<1x128x32xf32, #tpu.memory_space<vmem>>
    %dma_wait3A_58 = tpu.memref_squeeze %dma_wait3A_57 : memref<1x128x32xf32, #tpu.memory_space<vmem>> -> memref<128x32xf32, #tpu.memory_space<vmem>>
    tpu.wait_dma2 semaphore(%dma_wait3A_51 : memref<!tpu.dma_semaphore, #tpu.memory_space<semaphore_mem>>) src(%dma_wait3A_58 : memref<128x32xf32, #tpu.memory_space<vmem>>) dst(%dma_wait3A_54 : memref<128x32xf32, #tpu.memory_space<hbm>>)
    %add3A_59 = arith.constant 896 : i32
    %add3A_60 = arith.addi %mul3A_34, %add3A_59 : i32
    %dma_wait3A_61 = arith.constant 1 : i32
    %dma_wait3A_62 = arith.constant 1 : i32
    %dma_wait3A_63 = arith.constant 0 : i32
    %dma_wait3A_64 = arith.constant 0 : i32
    %dma_wait3A_65 = tpu.memref_slice %arg7[%dma_wait3A_61, %dma_wait3A_63, %dma_wait3A_64] : memref<2x128x32xf32, #tpu.memory_space<vmem>> -> memref<1x128x32xf32, #tpu.memory_space<vmem>>
    %dma_wait3A_66 = tpu.memref_squeeze %dma_wait3A_65 : memref<1x128x32xf32, #tpu.memory_space<vmem>> -> memref<128x32xf32, #tpu.memory_space<vmem>>
    %dma_wait3A_67 = arith.constant 0 : i32
    %dma_wait3A_68 = tpu.memref_slice %arg4[%select_n3A, %add3A_60, %dma_wait3A_67] : memref<2x16384x32xf32, #tpu.memory_space<hbm>> -> memref<1x128x32xf32, #tpu.memory_space<hbm>>
    %dma_wait3A_69 = tpu.memref_squeeze %dma_wait3A_68 : memref<1x128x32xf32, #tpu.memory_space<hbm>> -> memref<128x32xf32, #tpu.memory_space<hbm>>
    %dma_wait3A_70 = tpu.memref_slice %arg9[%dma_wait3A_62] : memref<2x!tpu.dma_semaphore, #tpu.memory_space<semaphore_mem>> -> memref<1x!tpu.dma_semaphore, #tpu.memory_space<semaphore_mem>>
    %dma_wait3A_71 = tpu.memref_squeeze %dma_wait3A_70 : memref<1x!tpu.dma_semaphore, #tpu.memory_space<semaphore_mem>> -> memref<!tpu.dma_semaphore, #tpu.memory_space<semaphore_mem>>
    %dma_wait3A_72 = arith.constant 0 : i32
    %dma_wait3A_73 = tpu.memref_slice %arg4[%select_n3A, %add3A_60, %dma_wait3A_72] : memref<2x16384x32xf32, #tpu.memory_space<hbm>> -> memref<1x128x32xf32, #tpu.memory_space<hbm>>
    %dma_wait3A_74 = tpu.memref_squeeze %dma_wait3A_73 : memref<1x128x32xf32, #tpu.memory_space<hbm>> -> memref<128x32xf32, #tpu.memory_space<hbm>>
    %dma_wait3A_75 = arith.constant 0 : i32
    %dma_wait3A_76 = arith.constant 0 : i32
    %dma_wait3A_77 = tpu.memref_slice %arg7[%dma_wait3A_61, %dma_wait3A_75, %dma_wait3A_76] : memref<2x128x32xf32, #tpu.memory_space<vmem>> -> memref<1x128x32xf32, #tpu.memory_space<vmem>>
    %dma_wait3A_78 = tpu.memref_squeeze %dma_wait3A_77 : memref<1x128x32xf32, #tpu.memory_space<vmem>> -> memref<128x32xf32, #tpu.memory_space<vmem>>
    tpu.wait_dma2 semaphore(%dma_wait3A_71 : memref<!tpu.dma_semaphore, #tpu.memory_space<semaphore_mem>>) src(%dma_wait3A_78 : memref<128x32xf32, #tpu.memory_space<vmem>>) dst(%dma_wait3A_74 : memref<128x32xf32, #tpu.memory_space<hbm>>)
    return
  }
}

module attributes {stable_mosaic.version = 14 : i64} {
  func.func @_head_body(%arg0: i32, %arg1: i32, %arg2: i32, %arg3: memref<1x8192x32xf32, #tpu.memory_space<vmem>>, %arg4: memref<200x32xf32, #tpu.memory_space<vmem>>, %arg5: memref<200x1xf32, #tpu.memory_space<vmem>>, %arg6: memref<1x200x8192xf32, #tpu.memory_space<vmem>>) attributes {dimension_semantics = [#tpu.dimension_semantics<arbitrary>, #tpu.dimension_semantics<arbitrary>, #tpu.dimension_semantics<arbitrary>], iteration_bounds = array<i64: 1, 2, 5>, scalar_prefetch = 0 : i64, scratch_operands = 0 : i64, tpu.core_type = #tpu.core_type<tc>, window_params = [{transform_indices = @transform_0, window_bounds = array<i64: 1, 8192, 32>}, {transform_indices = @transform_1, window_bounds = array<i64: 200, 32>}, {transform_indices = @transform_2, window_bounds = array<i64: 200, 1>}, {transform_indices = @transform_3, window_bounds = array<i64: 1, 200, 8192>}]} {
    %get3A = arith.constant 0 : index
    %get3A_0 = arith.constant 0 : index
    %get3A_1 = vector.load %arg4[%get3A, %get3A_0] : memref<200x32xf32, #tpu.memory_space<vmem>>, vector<200x32xf32>
    %get3A_2 = arith.constant 0 : index
    %get3A_3 = arith.constant 0 : index
    %get3A_4 = arith.constant 0 : index
    %get3A_5 = vector.load %arg3[%get3A_2, %get3A_3, %get3A_4] : memref<1x8192x32xf32, #tpu.memory_space<vmem>>, vector<1x8192x32xf32>
    %get3A_6 = vector.shape_cast %get3A_5 : vector<1x8192x32xf32> to vector<8192x32xf32>
    %dot_general3A = arith.constant dense<0.000000e+00> : vector<200x8192xf32>
    %dot_general3A_7 = tpu.matmul %get3A_1, %get3A_6, %dot_general3A {dimension_numbers = #tpu.dot_dimension_numbers<[1], [1], [0], [0], [0, 0, 1, 0], [], []>, transpose_lhs_hint = false} : vector<200x32xf32>, vector<8192x32xf32>, vector<200x8192xf32> -> vector<200x8192xf32>
    %get3A_8 = arith.constant 0 : index
    %get3A_9 = arith.constant 0 : index
    %get3A_10 = vector.load %arg5[%get3A_8, %get3A_9] : memref<200x1xf32, #tpu.memory_space<vmem>>, vector<200x1xf32>
    %add3A = vector.broadcast %get3A_10 : vector<200x1xf32> to vector<200x8192xf32>
    %add3A_11 = arith.addf %dot_general3A_7, %add3A : vector<200x8192xf32>
    %reshape3A = vector.shape_cast %add3A_11 : vector<200x8192xf32> to vector<1x200x8192xf32>
    %swap3A = arith.constant 0 : index
    %swap3A_12 = arith.constant 0 : index
    %swap3A_13 = arith.constant 0 : index
    %swap3A_14 = vector.load %arg6[%swap3A, %swap3A_12, %swap3A_13] : memref<1x200x8192xf32, #tpu.memory_space<vmem>>, vector<1x200x8192xf32>
    tpu.vector_store %arg6[%swap3A, %swap3A_12, %swap3A_13], %reshape3A {strides = array<i32>} : memref<1x200x8192xf32, #tpu.memory_space<vmem>>, vector<1x200x8192xf32>,
    return
  }
  func.func @transform_0(%arg0: i32, %arg1: i32, %arg2: i32) -> (i32, i32, i32) {
    %c0_i32 = arith.constant 0 : i32
    %c0_i32_0 = arith.constant 0 : i32
    return %arg0, %arg1, %c0_i32 : i32, i32, i32
  }
  func.func @transform_1(%arg0: i32, %arg1: i32, %arg2: i32) -> (i32, i32) {
    %c0_i32 = arith.constant 0 : i32
    %c0_i32_0 = arith.constant 0 : i32
    return %arg2, %c0_i32 : i32, i32
  }
  func.func @transform_2(%arg0: i32, %arg1: i32, %arg2: i32) -> (i32, i32) {
    %c0_i32 = arith.constant 0 : i32
    %c0_i32_0 = arith.constant 0 : i32
    return %arg2, %c0_i32 : i32, i32
  }
  func.func @transform_3(%arg0: i32, %arg1: i32, %arg2: i32) -> (i32, i32, i32) {
    %add3A = arith.constant 0 : i32
    %add3A_0 = arith.addi %arg0, %add3A : i32
    %c0_i32 = arith.constant 0 : i32
    return %add3A_0, %arg2, %arg1 : i32, i32, i32
  }
}

module attributes {stable_mosaic.version = 14 : i64} {
  func.func @_head_body_alias(%arg0: i32, %arg1: i32, %arg2: i32, %arg3: memref<1x8192x32xf32, #tpu.memory_space<vmem>>, %arg4: memref<200x32xf32, #tpu.memory_space<vmem>>, %arg5: memref<200x1xf32, #tpu.memory_space<vmem>>, %arg6: memref<8x1000x16384xf32, #tpu.memory_space<any>>, %arg7: memref<1x200x8192xf32, #tpu.memory_space<vmem>>) attributes {dimension_semantics = [#tpu.dimension_semantics<arbitrary>, #tpu.dimension_semantics<arbitrary>, #tpu.dimension_semantics<arbitrary>], iteration_bounds = array<i64: 1, 2, 5>, scalar_prefetch = 0 : i64, scratch_operands = 0 : i64, tpu.core_type = #tpu.core_type<tc>, window_params = [{transform_indices = @transform_0, window_bounds = array<i64: 1, 8192, 32>}, {transform_indices = @transform_1, window_bounds = array<i64: 200, 32>}, {transform_indices = @transform_2, window_bounds = array<i64: 200, 1>}, {}, {transform_indices = @transform_4, window_bounds = array<i64: 1, 200, 8192>}]} {
    %get3A = arith.constant 0 : index
    %get3A_0 = arith.constant 0 : index
    %get3A_1 = vector.load %arg4[%get3A, %get3A_0] : memref<200x32xf32, #tpu.memory_space<vmem>>, vector<200x32xf32>
    %get3A_2 = arith.constant 0 : index
    %get3A_3 = arith.constant 0 : index
    %get3A_4 = arith.constant 0 : index
    %get3A_5 = vector.load %arg3[%get3A_2, %get3A_3, %get3A_4] : memref<1x8192x32xf32, #tpu.memory_space<vmem>>, vector<1x8192x32xf32>
    %get3A_6 = vector.shape_cast %get3A_5 : vector<1x8192x32xf32> to vector<8192x32xf32>
    %dot_general3A = arith.constant dense<0.000000e+00> : vector<200x8192xf32>
    %dot_general3A_7 = tpu.matmul %get3A_1, %get3A_6, %dot_general3A {dimension_numbers = #tpu.dot_dimension_numbers<[1], [1], [0], [0], [0, 0, 1, 0], [], []>, transpose_lhs_hint = false} : vector<200x32xf32>, vector<8192x32xf32>, vector<200x8192xf32> -> vector<200x8192xf32>
    %get3A_8 = arith.constant 0 : index
    %get3A_9 = arith.constant 0 : index
    %get3A_10 = vector.load %arg5[%get3A_8, %get3A_9] : memref<200x1xf32, #tpu.memory_space<vmem>>, vector<200x1xf32>
    %add3A = vector.broadcast %get3A_10 : vector<200x1xf32> to vector<200x8192xf32>
    %add3A_11 = arith.addf %dot_general3A_7, %add3A : vector<200x8192xf32>
    %reshape3A = vector.shape_cast %add3A_11 : vector<200x8192xf32> to vector<1x200x8192xf32>
    %swap3A = arith.constant 0 : index
    %swap3A_12 = arith.constant 0 : index
    %swap3A_13 = arith.constant 0 : index
    %swap3A_14 = vector.load %arg7[%swap3A, %swap3A_12, %swap3A_13] : memref<1x200x8192xf32, #tpu.memory_space<vmem>>, vector<1x200x8192xf32>
    tpu.vector_store %arg7[%swap3A, %swap3A_12, %swap3A_13], %reshape3A {strides = array<i32>} : memref<1x200x8192xf32, #tpu.memory_space<vmem>>, vector<1x200x8192xf32>,
    return
  }
  func.func @transform_0(%arg0: i32, %arg1: i32, %arg2: i32) -> (i32, i32, i32) {
    %c0_i32 = arith.constant 0 : i32
    %c0_i32_0 = arith.constant 0 : i32
    return %arg0, %arg1, %c0_i32 : i32, i32, i32
  }
  func.func @transform_1(%arg0: i32, %arg1: i32, %arg2: i32) -> (i32, i32) {
    %c0_i32 = arith.constant 0 : i32
    %c0_i32_0 = arith.constant 0 : i32
    return %arg2, %c0_i32 : i32, i32
  }
  func.func @transform_2(%arg0: i32, %arg1: i32, %arg2: i32) -> (i32, i32) {
    %c0_i32 = arith.constant 0 : i32
    %c0_i32_0 = arith.constant 0 : i32
    return %arg2, %c0_i32 : i32, i32
  }
  func.func @transform_4(%arg0: i32, %arg1: i32, %arg2: i32) -> (i32, i32, i32) {
    %add3A = arith.constant 1 : i32
    %add3A_0 = arith.addi %arg0, %add3A : i32
    %c0_i32 = arith.constant 0 : i32
    return %add3A_0, %arg2, %arg1 : i32, i32, i32
  }
}

module attributes {stable_mosaic.version = 14 : i64} {
  func.func @_head_body_alias(%arg0: i32, %arg1: i32, %arg2: i32, %arg3: memref<1x8192x32xf32, #tpu.memory_space<vmem>>, %arg4: memref<200x32xf32, #tpu.memory_space<vmem>>, %arg5: memref<200x1xf32, #tpu.memory_space<vmem>>, %arg6: memref<8x1000x16384xf32, #tpu.memory_space<any>>, %arg7: memref<1x200x8192xf32, #tpu.memory_space<vmem>>) attributes {dimension_semantics = [#tpu.dimension_semantics<arbitrary>, #tpu.dimension_semantics<arbitrary>, #tpu.dimension_semantics<arbitrary>], iteration_bounds = array<i64: 2, 2, 5>, scalar_prefetch = 0 : i64, scratch_operands = 0 : i64, tpu.core_type = #tpu.core_type<tc>, window_params = [{transform_indices = @transform_0, window_bounds = array<i64: 1, 8192, 32>}, {transform_indices = @transform_1, window_bounds = array<i64: 200, 32>}, {transform_indices = @transform_2, window_bounds = array<i64: 200, 1>}, {}, {transform_indices = @transform_4, window_bounds = array<i64: 1, 200, 8192>}]} {
    %get3A = arith.constant 0 : index
    %get3A_0 = arith.constant 0 : index
    %get3A_1 = vector.load %arg4[%get3A, %get3A_0] : memref<200x32xf32, #tpu.memory_space<vmem>>, vector<200x32xf32>
    %get3A_2 = arith.constant 0 : index
    %get3A_3 = arith.constant 0 : index
    %get3A_4 = arith.constant 0 : index
    %get3A_5 = vector.load %arg3[%get3A_2, %get3A_3, %get3A_4] : memref<1x8192x32xf32, #tpu.memory_space<vmem>>, vector<1x8192x32xf32>
    %get3A_6 = vector.shape_cast %get3A_5 : vector<1x8192x32xf32> to vector<8192x32xf32>
    %dot_general3A = arith.constant dense<0.000000e+00> : vector<200x8192xf32>
    %dot_general3A_7 = tpu.matmul %get3A_1, %get3A_6, %dot_general3A {dimension_numbers = #tpu.dot_dimension_numbers<[1], [1], [0], [0], [0, 0, 1, 0], [], []>, transpose_lhs_hint = false} : vector<200x32xf32>, vector<8192x32xf32>, vector<200x8192xf32> -> vector<200x8192xf32>
    %get3A_8 = arith.constant 0 : index
    %get3A_9 = arith.constant 0 : index
    %get3A_10 = vector.load %arg5[%get3A_8, %get3A_9] : memref<200x1xf32, #tpu.memory_space<vmem>>, vector<200x1xf32>
    %add3A = vector.broadcast %get3A_10 : vector<200x1xf32> to vector<200x8192xf32>
    %add3A_11 = arith.addf %dot_general3A_7, %add3A : vector<200x8192xf32>
    %reshape3A = vector.shape_cast %add3A_11 : vector<200x8192xf32> to vector<1x200x8192xf32>
    %swap3A = arith.constant 0 : index
    %swap3A_12 = arith.constant 0 : index
    %swap3A_13 = arith.constant 0 : index
    %swap3A_14 = vector.load %arg7[%swap3A, %swap3A_12, %swap3A_13] : memref<1x200x8192xf32, #tpu.memory_space<vmem>>, vector<1x200x8192xf32>
    tpu.vector_store %arg7[%swap3A, %swap3A_12, %swap3A_13], %reshape3A {strides = array<i32>} : memref<1x200x8192xf32, #tpu.memory_space<vmem>>, vector<1x200x8192xf32>,
    return
  }
  func.func @transform_0(%arg0: i32, %arg1: i32, %arg2: i32) -> (i32, i32, i32) {
    %c0_i32 = arith.constant 0 : i32
    %c0_i32_0 = arith.constant 0 : i32
    return %arg0, %arg1, %c0_i32 : i32, i32, i32
  }
  func.func @transform_1(%arg0: i32, %arg1: i32, %arg2: i32) -> (i32, i32) {
    %c0_i32 = arith.constant 0 : i32
    %c0_i32_0 = arith.constant 0 : i32
    return %arg2, %c0_i32 : i32, i32
  }
  func.func @transform_2(%arg0: i32, %arg1: i32, %arg2: i32) -> (i32, i32) {
    %c0_i32 = arith.constant 0 : i32
    %c0_i32_0 = arith.constant 0 : i32
    return %arg2, %c0_i32 : i32, i32
  }
  func.func @transform_4(%arg0: i32, %arg1: i32, %arg2: i32) -> (i32, i32, i32) {
    %add3A = arith.constant 2 : i32
    %add3A_0 = arith.addi %arg0, %add3A : i32
    %c0_i32 = arith.constant 0 : i32
    return %add3A_0, %arg2, %arg1 : i32, i32, i32
  }
}

module attributes {stable_mosaic.version = 14 : i64} {
  func.func @_head_body_alias(%arg0: i32, %arg1: i32, %arg2: i32, %arg3: memref<1x8192x32xf32, #tpu.memory_space<vmem>>, %arg4: memref<200x32xf32, #tpu.memory_space<vmem>>, %arg5: memref<200x1xf32, #tpu.memory_space<vmem>>, %arg6: memref<8x1000x16384xf32, #tpu.memory_space<any>>, %arg7: memref<1x200x8192xf32, #tpu.memory_space<vmem>>) attributes {dimension_semantics = [#tpu.dimension_semantics<arbitrary>, #tpu.dimension_semantics<arbitrary>, #tpu.dimension_semantics<arbitrary>], iteration_bounds = array<i64: 4, 2, 5>, scalar_prefetch = 0 : i64, scratch_operands = 0 : i64, tpu.core_type = #tpu.core_type<tc>, window_params = [{transform_indices = @transform_0, window_bounds = array<i64: 1, 8192, 32>}, {transform_indices = @transform_1, window_bounds = array<i64: 200, 32>}, {transform_indices = @transform_2, window_bounds = array<i64: 200, 1>}, {}, {transform_indices = @transform_4, window_bounds = array<i64: 1, 200, 8192>}]} {
    %get3A = arith.constant 0 : index
    %get3A_0 = arith.constant 0 : index
    %get3A_1 = vector.load %arg4[%get3A, %get3A_0] : memref<200x32xf32, #tpu.memory_space<vmem>>, vector<200x32xf32>
    %get3A_2 = arith.constant 0 : index
    %get3A_3 = arith.constant 0 : index
    %get3A_4 = arith.constant 0 : index
    %get3A_5 = vector.load %arg3[%get3A_2, %get3A_3, %get3A_4] : memref<1x8192x32xf32, #tpu.memory_space<vmem>>, vector<1x8192x32xf32>
    %get3A_6 = vector.shape_cast %get3A_5 : vector<1x8192x32xf32> to vector<8192x32xf32>
    %dot_general3A = arith.constant dense<0.000000e+00> : vector<200x8192xf32>
    %dot_general3A_7 = tpu.matmul %get3A_1, %get3A_6, %dot_general3A {dimension_numbers = #tpu.dot_dimension_numbers<[1], [1], [0], [0], [0, 0, 1, 0], [], []>, transpose_lhs_hint = false} : vector<200x32xf32>, vector<8192x32xf32>, vector<200x8192xf32> -> vector<200x8192xf32>
    %get3A_8 = arith.constant 0 : index
    %get3A_9 = arith.constant 0 : index
    %get3A_10 = vector.load %arg5[%get3A_8, %get3A_9] : memref<200x1xf32, #tpu.memory_space<vmem>>, vector<200x1xf32>
    %add3A = vector.broadcast %get3A_10 : vector<200x1xf32> to vector<200x8192xf32>
    %add3A_11 = arith.addf %dot_general3A_7, %add3A : vector<200x8192xf32>
    %reshape3A = vector.shape_cast %add3A_11 : vector<200x8192xf32> to vector<1x200x8192xf32>
    %swap3A = arith.constant 0 : index
    %swap3A_12 = arith.constant 0 : index
    %swap3A_13 = arith.constant 0 : index
    %swap3A_14 = vector.load %arg7[%swap3A, %swap3A_12, %swap3A_13] : memref<1x200x8192xf32, #tpu.memory_space<vmem>>, vector<1x200x8192xf32>
    tpu.vector_store %arg7[%swap3A, %swap3A_12, %swap3A_13], %reshape3A {strides = array<i32>} : memref<1x200x8192xf32, #tpu.memory_space<vmem>>, vector<1x200x8192xf32>,
    return
  }
  func.func @transform_0(%arg0: i32, %arg1: i32, %arg2: i32) -> (i32, i32, i32) {
    %c0_i32 = arith.constant 0 : i32
    %c0_i32_0 = arith.constant 0 : i32
    return %arg0, %arg1, %c0_i32 : i32, i32, i32
  }
  func.func @transform_1(%arg0: i32, %arg1: i32, %arg2: i32) -> (i32, i32) {
    %c0_i32 = arith.constant 0 : i32
    %c0_i32_0 = arith.constant 0 : i32
    return %arg2, %c0_i32 : i32, i32
  }
  func.func @transform_2(%arg0: i32, %arg1: i32, %arg2: i32) -> (i32, i32) {
    %c0_i32 = arith.constant 0 : i32
    %c0_i32_0 = arith.constant 0 : i32
    return %arg2, %c0_i32 : i32, i32
  }
  func.func @transform_4(%arg0: i32, %arg1: i32, %arg2: i32) -> (i32, i32, i32) {
    %add3A = arith.constant 4 : i32
    %add3A_0 = arith.addi %arg0, %add3A : i32
    %c0_i32 = arith.constant 0 : i32
    return %add3A_0, %arg2, %arg1 : i32, i32, i32
  }
}

</mosaic_0001>

<sc_bundles>
// kernel: kernel.10.cloned.1.call-start
scs
__scs_entry_jumppad:
0x0: {  	(pc) =	sbr.rel $0x88, $3  }
0x1: {  	(tag) =	ssettag $0x0;
	lr =	simm.s32 $0x1  }
0x2: {  	[smem:$0x3F9D] =	sst lr;
	_ =	strace $0xD0000000  }
0x3: {  	_ = 	snop  }
0x4: {  	_ = 	snop  }
0x5: {  	_ = 	snop  }
0x6: {  	_ = 	snop  }
0x7: {  	_ = 	snop  }
__scs_overlays_trampoline_lowered:
0x8: {  	[smem:$0x3FAC] =	sst s0  }
0x9: {  	[smem:$0x3FAD] =	sst s1  }
0xa: {  	[smem:$0x3FAE] =	sst s2  }
0xb: {  	[smem:$0x3FAF] =	sst s3  }
0xc: {  	[smem:$0x3FB0] =	sst s4  }
0xd: {  	[smem:$0x3FB1] =	sst s5  }
0xe: {  	[smem:$0x3FB2] =	sst s6  }
0xf: {  	[smem:$0x3FB3] =	sst s7  }
0x10: {  	[smem:$0x3FB4] =	sst s8  }
0x11: {  	[smem:$0x3FB5] =	sst s9;
	s0 =	simm.s32 @!p0 $0x0  }
0x12: {  	s1 =	sld [smem:$0x3F9B];
	s0 =	simm.s32 @p0 $0x1  }
0x13: {  	[smem:$0x3FB6] =	sst s0;
	s0 =	simm.s32 @!p1 $0x0  }
0x14: {  	s2 =	sld [smem:$0x3F9A];
	s0 =	simm.s32 @p1 $0x1  }
0x15: {  	[smem:$0x3FB7] =	sst s0;
	s0 =	simm.s32 @!p2 $0x0  }
0x16: {  	s3 =	sld [smem:$0x3FDB];
	s0 =	simm.s32 @p2 $0x1  }
0x17: {  	s4 =	simm.s32 $0x1BF5;
	[smem:$0x3FB9] =	sst s0  }
0x18: {  	s0 =	sld [smem:$0x3F9C];
	_ =	swait.ge [sflag:s4], $0x0  }
0x19: {  	s7 =	sld [smem:$0x3F9D]  }
0x1a: {  	s8 =	sadd.s32 $0xFFFFE003, lr  }
0x1b: {  	s9 =	sadd.s32 $0xFFFFFEF7, lr;
	s5 =	simm.s32 $0xFFFFFFFF;
	p2 =	slt.u32 s8, $0xFFFFF086  }
0x1c: {  	p1 =	slt.u32 s9, $0xF7A;
	s5 =	simm.s32 @!p2 $0x0  }
0x1d: {  	s5 =	simm.s32 @p1 $0x1;
	p0 =	seq.s32 s7, s2  }
0x1e: {  	s7 =	smul.u32 @!p0 $0xF7A, s2;
	p2 =	seq.s32 @!p0 s5, $0x0  }
0x1f: {  	s9 =	smul.u32 $0xF7A, s1;
	s8 =	simm.s32 @!p0 $0x1BF5;
	p2 =	por !p2, p0  }
0x20: {  	[sflag:s8] =	ssyncset.s32 @!p0 $0xFFFFF086;
	s6 =	sadd.s32 @!p0 s3, s7;
	s7 =	simm.s32 @!p0 $0x108  }
0x21: {  	s3 =	sadd.s32 s3, s9;
	s6 =	sadd.s32 @!p0 $0x88, s6;
	s7 =	simm.s32 @p2 $0x1082  }
0x22: {  	[simem:s7], [sflag:s8] =	dma.local @!p0 [hbm:s6], $0xF7A  }
0x23: {  	s9 =	sor.u32 $0xD0000000, s2;
	s6 =	simm.s32 $0x108;
	_ =	swait.ge @!p0 [sflag:s8], $0x0  }
0x24: {  	s3 =	sadd.s32 $0x88, s3;
	s6 =	simm.s32 @!p1 $0x1082;
	[sflag:s4] =	ssyncset.s32 $0xFFFFF086  }
0x25: {  	[simem:s6], [sflag:s4] =	dma.local [hbm:s3], $0xF7A  }
0x26: {  	[smem:$0x3F9D] =	sst s1;
	(tag) =	ssettag s2;
	_ =	strace s9  }
0x27: {  	s1 =	sld [smem:$0x3FAD]  }
0x28: {  	s2 =	sld [smem:$0x3FAE]  }
0x29: {  	s4 =	sld [smem:$0x3FB0]  }
0x2a: {  	p0 =	seq.s32 s5, $0x0;
	s5 =	sld [smem:$0x3FB1]  }
0x2b: {  	s6 =	sld [smem:$0x3FB2]  }
0x2c: {  	s7 =	sld [smem:$0x3FB3]  }
0x2d: {  	s3 =	simm.s32 $0x108;
	s8 =	sld [smem:$0x3FB4]  }
0x2e: {  	s3 =	simm.s32 @!p0 $0x1082;
	s9 =	sld [smem:$0x3FB5]  }
0x2f: {  	lr =	sadd.s32 s0, s3;
	s0 =	sld [smem:$0x3FAC]  }
0x30: {  	s3 =	sld [smem:$0x3FAF]  }
0x31: {  	[smem:$0x3FB8] =	sst s10  }
0x32: {  	s10 =	sld [smem:$0x3FB6];
	_ =	sdelay $0x3  }
0x33: {  	p0 =	seq.s32 s10, $0x1;
	s10 =	sld [smem:$0x3FB8];
	_ =	sdelay $0x3  }
0x34: {  	[smem:$0x3FB8] =	sst s10  }
0x35: {  	s10 =	sld [smem:$0x3FB7];
	_ =	sdelay $0x3  }
0x36: {  	p1 =	seq.s32 s10, $0x1;
	s10 =	sld [smem:$0x3FB8];
	_ =	sdelay $0x3  }
0x37: {  	[smem:$0x3FB8] =	sst s10  }
0x38: {  	s10 =	sld [smem:$0x3FB9]  }
0x39: {  	_ = 	snop;
	(pc) =	sbr.ind lr, $3  }
0x3a: {  	_ = 	snop  }
0x3b: {  	_ = 	snop  }
0x3c: {  	p2 =	seq.s32 s10, $0x1;
	s10 =	sld [smem:$0x3FB8]  }
0x3d: {  	_ =	shalt  }
0x3e: {  	_ =	shalt  }
0x3f: {  	_ =	shalt  }
0x40: {  	_ =	shalt  }
0x41: {  	_ =	shalt  }
0x42: {  	_ =	shalt  }
0x43: {  	_ =	shalt  }
0x44: {  	_ =	shalt  }
0x45: {  	_ =	shalt  }
0x46: {  	_ =	shalt  }
0x47: {  	_ =	shalt  }
0x48: {  	_ =	shalt  }
0x49: {  	_ =	shalt  }
0x4a: {  	_ =	shalt  }
0x4b: {  	_ =	shalt  }
0x4c: {  	_ =	shalt  }
0x4d: {  	_ =	shalt  }
0x4e: {  	_ =	shalt  }
0x4f: {  	_ =	shalt  }
0x50: {  	_ =	shalt  }
0x51: {  	_ =	shalt  }
0x52: {  	_ =	shalt  }
0x53: {  	_ =	shalt  }
0x54: {  	_ =	shalt  }
0x55: {  	_ =	shalt  }
0x56: {  	_ =	shalt  }
0x57: {  	_ =	shalt  }
0x58: {  	_ =	shalt  }
0x59: {  	_ =	shalt  }
0x5a: {  	_ =	shalt  }
0x5b: {  	_ =	shalt  }
0x5c: {  	_ =	shalt  }
0x5d: {  	_ =	shalt  }
0x5e: {  	_ =	shalt  }
0x5f: {  	_ =	shalt  }
0x60: {  	_ =	shalt  }
0x61: {  	_ =	shalt  }
0x62: {  	_ =	shalt  }
0x63: {  	_ =	shalt  }
0x64: {  	_ =	shalt  }
0x65: {  	_ =	shalt  }
0x66: {  	_ =	shalt  }
0x67: {  	_ =	shalt  }
0x68: {  	_ =	shalt  }
0x69: {  	_ =	shalt  }
0x6a: {  	_ =	shalt  }
0x6b: {  	_ =	shalt  }
0x6c: {  	_ =	shalt  }
0x6d: {  	_ =	shalt  }
0x6e: {  	_ =	shalt  }
0x6f: {  	_ =	shalt  }
0x70: {  	_ =	shalt  }
0x71: {  	_ =	shalt  }
0x72: {  	_ =	shalt  }
0x73: {  	_ =	shalt  }
0x74: {  	_ =	shalt  }
0x75: {  	_ =	shalt  }
0x76: {  	_ =	shalt  }
0x77: {  	_ =	shalt  }
0x78: {  	_ =	shalt  }
0x79: {  	_ =	shalt  }
0x7a: {  	_ =	shalt  }
0x7b: {  	_ =	shalt  }
0x7c: {  	_ =	shalt  }
0x7d: {  	_ =	shalt  }
0x7e: {  	_ =	shalt  }
0x7f: {  	_ =	shalt  }
0x80: {  	_ =	shalt  }
0x81: {  	_ =	shalt  }
0x82: {  	_ =	shalt  }
0x83: {  	_ =	shalt  }
0x84: {  	_ =	shalt  }
0x85: {  	_ =	shalt  }
0x86: {  	_ =	shalt  }
0x87: {  	_ =	shalt  }
.Lfunc_end0:
.L_simem_size_0:
called_computation_lowered:
.L_overlay_start_0:
0x88: {  	s2 =	sld [smem:$0x3FD9]  }
0x89: {  	s3 =	sld [smem:$0x3FFE];
	_ =	sdelay $0x1  }
0x8a: {  	s1 =	srdreg.scid  }
0x8b: {  	s0 =	sand.u32 $0x1, s1  }
0x8c: {  	s17 =	sshll.u32 s0, $0xA;
	s2 =	sadd.s32 s3, s2  }
0x8d: {  	s2 =	sadd.s32 s2, s17  }
0x8e: {  	[smem:$0x3FC4] =	sst s2  }
0x8f: {  	_ = 	snop  }
0x90: {  	s2 =	sld [smem:$0x3FD0];
	(tm) =	ssettm $0x1  }
0x91: {  	s18 =	sld [smem:$0x3FFB];
	_ =	sdelay $0x3  }
0x92: {  	_ =	strace s18  }
0x93: {  	s3 =	sld [smem:$0x3FFC];
	_ =	sdelay $0x3  }
0x94: {  	_ =	strace s3  }
0x95: {  	s3 =	sld [smem:$0x3FFD];
	_ =	sdelay $0x3  }
0x96: {  	_ =	strace s3  }
0x97: {  	_ =	strace $0x8FFFFFFF  }
0x98: {  	s19 =	sld [smem:$0x3FDB];
	_ =	sdelay $0x1  }
0x99: {  	s4 =	simm.s32 $_scs_section_size  }
0x9a: {  	s5 =	simm.s32 $_size__tile_overlayer_lowered;
	s6 =	simm.s32 $_tile_overlayer_lowered  }
0x9b: {  	s22 =	simm.s32 $0x1BFF;
	s21 =	sshll.u32 s6, $0x1;
	s3 =	sadd.s32 s4, s19  }
0x9c: {  	s7 =	simm.s32 $0x0;
	s20 =	sshll.u32 s5, $0x1;
	s5 =	sadd.s32 s21, s3  }
0x9d: {  	[timem:s7], [sflag:s22] =	dma.local [hbm:s5], s20  }
0x9e: {  	_ =	swait.ge [sflag:s22], s20  }
0x9f: {  	s4 =	ssub.s32 $0x0, s20;
	[sflag:s22] =	ssyncset.done $0x0  }
0xa0: {  	[sflag:s22] =	ssyncadd.s32 s4;
	_ =	sdelay $0x1  }
0xa1: {  	s23 =	simm.s32 $0x1B8B  }
0xa2: {  	_ =	swait.ge [sflag:s23], $0x1  }
0xa3: {  	[sflag:s23] =	ssyncset.done $0x0  }
0xa4: {  	s25 =	simm.s32 $0x1B8E;
	s24 =	sld [smem:$0x3FFE];
	[sflag:s23] =	ssyncadd.s32 $0xFFFFFFFF  }
0xa5: {  	s26 =	simm.s32 $execute0_lowered;
	[smem:$0x3FD2] =	sst s25  }
0xa6: {  	s5 =	sshll.u32 s26, $0x1;
	_ =	strace $0x80000046;
	[dreg:$0x1] =	wrdreg $0xFFFFFFFF  }
0xa7: {  	s28 =	simm.s32 $_size_execute0_lowered;
	s3 =	sadd.s32 s3, s5;
	[dreg:$0x0] =	wrdreg $0x0  }
0xa8: {  	s5 =	sshll.u32 s28, $0x1;
	[dreg:$0x2] =	wrdreg s3  }
0xa9: {  	[dreg:$0x3] =	wrdreg s5  }
0xaa: {  	[dreg:$0x4] =	wrdreg $0xC0  }
0xab: {  	_ =	task [dreg:s7], $0x5FFFF  }
0xac: {  	[dreg:$0x1] =	wrdreg $0xFFFFFFFF  }
0xad: {  	[dreg:$0x0] =	wrdreg $0x60  }
0xae: {  	[dreg:$0x2] =	wrdreg s24  }
0xaf: {  	[dreg:$0x3] =	wrdreg s2  }
0xb0: {  	[dreg:$0x4] =	wrdreg $0x9  }
0xb1: {  	_ =	task.clear_ibuf [dreg:s7], $0x5FFFF;
	_ =	strace $0x90000046  }
0xb2: {  	s29 =	simm.s32 $0x9;
	_ =	strace $0x80000048  }
0xb3: {  	_ =	swait.ge [sflag:s29], $0x1  }
0xb4: {  	[sflag:s29] =	ssyncadd.s32 $0xFFFFFFFF  }
0xb5: {  	_ =	strace $0x90000048  }
0xb6: {  	_ =	sfence  }
0xb7: {  	s30 =	sld [smem:$0x0];
	_ =	sdelay $0x2  }
0xb8: {  	s31 =	sshll.u32 s1, $0xD;
	s1 =	sshrl.u32 s1, $0x2  }
0xb9: {  	s3 =	sand.u32 $0x4000, s31;
	s1 =	sadd.s32 s1, s30  }
0xba: {  	s0 =	sor.u32 s3, s0;
	s1 =	sshll.u32 s1, $0x11  }
0xbb: {  	s0 =	sor.u32 s1, s0  }
0xbc: {  	s0 =	sadd.s32 $0x8F2B, s0  }
0xbd: {  	[sflag:s0] =	ssyncadd.remote.s32 $0x1  }
0xbe: {  	_ =	sfence.sel $0xFFFF  }
0xbf: {  	[dreg:$0x0] =	wrdreg $0xFFFFFFFF;
	(pc) =	sbr.abs _section_cstart, $3  }
0xc0: {  	[dreg:$0x1] =	wrdreg $0xFFFFFFFF  }
0xc1: {  	_ =	task.clear_ibuf [dreg:s7], $0x2FFFF;
	_ =	strace $0x9FFFFFFF  }
0xc2: {  	(tm) =	ssettm $0x7FFFFFFF  }
0xc3: {  	_ =	shalt  }
tec
execute0_lowered:
.L_overlay_start_1:
0x0: {  	(tag) =	ssettag $0x1  }
0x1: {  	s4 =	rddreg [dreg:$0x0]  }
0x2: {  	s5 =	rddreg [dreg:$0x1]  }
0x3: {  	s0 =	rddreg [dreg:$0x2];
	s2 =	simm.s32 $0x0;
	s3 =	srdreg.scid  }
0x4: {  	s1 =	stileid.u32;
	s9 =	simm.s32 $0x3;
	s10 =	simm.s32 $0x4  }
0x5: {  	s11 =	simm.s32 $0x0;
	s6 =	sand.u32 $0x1, s3;
	s30 =	sshll.u32 s1, $0x1  }
0x6: {  	[smem:$0x7FF] =	sst s2;
	s3 =	sadd.s32 $0x1E00, s4;
	s7 =	sor.u32 s6, s30  }
0x7: {  	_ =	strace $0x80000047;
	s6 =	ssub.s32 $0x2, s6;
	s8 =	sshll.u32 s7, $0x6  }
0x8: {  	s31 =	sshrl.u32 s6, $0x1;
	s7 =	sshll.u32 s7, $0xD;
	s4 =	sadd.s32 s8, s4  }
0x9: {  	s6 =	ssub.s32 s6, s31;
	s5 =	sadd.s32 s5, s7;
	s7 =	simm.s32 $0x5  }
0xa: {  	s8 =	simm.s32 $0x80;
	s4 =	sadd.s32 $0x1600, s4;
	s6 =	smax.u32 s6, $0x1  }
.LBB2_1:
0xb: {  	[tilespmem:s2], [sflag:$0x5] =	stream.linear.gather [hbm4b:s4+s2], $0x200, $0x38;
	[tilespmem:$0x10200] =	vst v63  }
0xc: {  	_ =	swait.ge [sflag:s7], $0x200  }
0xd: {  	[sflag:s7] =	ssyncset.done $0x0  }
0xe: {  	p0 =	por $0x0, $0x0;
	s12 =	simm.s32 $0x0;
	[sflag:s7] =	ssyncadd.s32 $0xFFFFFE00  }
.LBB2_2:
0xf: {  	s13 =	sand.u32 $0x1, s12;
	p1 =	slt.u32 s12, $0x2  }
0x10: {  	s15 =	simm.s32 $0x1;
	s14 =	sadd.s32 @!p1 $0x3, s13  }
0x11: {  	s15 =	simm.s32 @!p0 $0x0;
	_ =	swait.ge @!p1 [sflag:s14], $0x4000  }
0x12: {  	s16 =	sshll.u32 s12, $0x7;
	s15 =	sshll.u32 s15, $0xE;
	[sflag:s14] =	ssyncset.done @!p1 $0x0  }
0x13: {  	s31 =	sor.u32 $0x200, s15;
	[sflag:s14] =	ssyncadd.s32 @!p1 $0xFFFFC000;
	s14 =	sshll.u32 s13, $0xE  }
0x14: {  	s16 =	sand.u32 $0x3FFFFF80, s16;
	s18 =	sadd.s32 $0x1, s13;
	v1 =	vmov s31;
	s17 =	sor.u32 $0x200, s14  }
0x15: {  	[tilespmem:s17], [sflag:s18] =	stream.indirect.gather [hbm4b:s3+s8], $0x80, s16, s8, $0xb8;
	[tilespmem:$0x10200] =	vst v63  }
0x16: {  	_ =	swait.ge [sflag:s18], $0x4000  }
0x17: {  	s15 =	sor.u32 $0x8200, s15;
	[sflag:s18] =	ssyncset.done $0x0  }
0x18: {  	v0 =	vmov s15;
	s15 =	simm.s32 $0x0;
	s16 =	simm.s32 $0x200;
	[sflag:s18] =	ssyncadd.s32 $0xFFFFC000  }
.LBB2_3:
0x19: {  	p1 =	sne.s32 s16, $0xFE00;
	v2 =	vld.idx.msk [tilespmem:v1+s15+$0x0 ss:$0x1], $0xffff;
	_ =	sdelay $0x5  }
0x1a: {  	[tilespmem:v0+s15+$0x0 ss:$0x1] =	vst.idx.msk $0xffff, v2  }
0x1b: {  	v2 =	vld.idx.msk [tilespmem:v1+s15+$0x10 ss:$0x1], $0xffff;
	_ =	sdelay $0x1  }
.Ltmp0:
0x1c: {  	(pc) =	sbr.rel @p1 .LBB2_3-.Ltmp0, $2  }
0x1d: {  	_ =	sdelay $0x2  }
0x1e: {  	[tilespmem:v0+s15+$0x10 ss:$0x1] =	vst.idx.msk $0xffff, v2;
	s15 =	sshra.s32 s16, $0x2;
	s16 =	sadd.s32 $0x200, s16  }
0x1f: {  	_ =	sdelay $0x3  }
0x20: {  	v2 =	vld.idx.msk [tilespmem:v1+s15+$0x0 ss:$0x1], $0xffff;
	_ =	sdelay $0x4  }
0x21: {  	[tilespmem:v0+s15+$0x0 ss:$0x1] =	vst.idx.msk $0xffff, v2  }
0x22: {  	s16 =	sshll.u32 s12, $0xB;
	s12 =	sadd.s32 $0x1, s12;
	v63 =	vld.idx.msk [tilespmem:v1+s15+$0x10 ss:$0x1], $0xffff  }
0x23: {  	p1 =	sne.s32 s12, $0x4  }
.Ltmp1:
0x24: {  	_ = 	snop;
	(pc) =	sbr.rel @p1 .LBB2_2-.Ltmp1, $4  }
0x25: {  	_ = 	snop  }
0x26: {  	s13 =	sadd.s32 $0x3, s13  }
0x27: {  	s14 =	sadd.s32 $0x8200, s14;
	p0 =	por !p0, !p0;
	s31 =	sadd.s32 s16, s5;
	[tilespmem:v0+s15+$0x10 ss:$0x1] =	vst.idx.msk $0xffff, v63  }
0x28: {  	[hbm4b:s31+s2] =	stream.linear.scatter [tilespmem:s14], [sflag:s13], $0x4000, $0x38;
	[tilespmem:$0x10200] =	vst v63  }
0x29: {  	s11 =	sadd.s32 $0x1, s11  }
0x2a: {  	_ =	swait.ge [sflag:s9], $0x4000;
	p0 =	sne.s32 s11, s6  }
.Ltmp2:
0x2b: {  	[sflag:s9] =	ssyncset.done $0x0;
	(pc) =	sbr.rel @p0 .LBB2_1-.Ltmp2, $4  }
0x2c: {  	[sflag:s9] =	ssyncadd.s32 $0xFFFFC000  }
0x2d: {  	_ =	swait.ge [sflag:s10], $0x4000  }
0x2e: {  	[sflag:s10] =	ssyncset.done $0x0  }
0x2f: {  	[sflag:s10] =	ssyncadd.s32 $0xFFFFC000  }
0x30: {  	_ =	sfence.sel $0x180000  }
0x31: {  	[bflag:$0x0] =	sbarrier.arrive $0xFFFF  }
0x32: {  	p0 =	sne.s32 s1, $0x0;
	_ =	strace $0x90000047  }
0x33: {  	s0 =	sadd.s32 @!p0 $0x100000, s0;
	[bflag:$0x2] =	sbarrier.arrive $0xFFFF  }
0x34: {  	[sflag:s0] =	ssyncadd.tile.s32 @!p0 $0x1;
	_ =	shalt  }
.Lfunc_end2:
_tile_overlayer_lowered:
.L_overlay_start_2:
0x35: {  	(tag) =	ssettag $0x2  }
0x36: {  	s0 =	rddreg [dreg:$0x0];
	s2 =	stileid.u32  }
0x37: {  	s1 =	rddreg [dreg:$0x1];
	p0 =	sne.s32 s2, $0x0  }
0x38: {  	s3 =	rddreg [dreg:$0x2];
	[bflag:$0x3] =	sbarrier.arrive $0xFFFF;
	s2 =	simm.s32 @!p0 $0x1C05  }
0x39: {  	[timem:s3], [sflag:s2] =	dma.local @!p0 [hbm:s0], s1  }
0x3a: {  	s0 =	simm.s32 @!p0 $0x5  }
0x3b: {  	_ =	swait.ge @!p0 [sflag:s0], s1  }
0x3c: {  	s1 =	ssub.s32 @!p0 $0x0, s1;
	[sflag:s0] =	ssyncset.done @!p0 $0x0  }
0x3d: {  	[sflag:s0] =	ssyncadd.s32 @!p0 s1  }
0x3e: {  	[bflag:$0x3] =	sbarrier.arrive $0xFFFF  }
0x3f: {  	_ =	shalt  }

// kernel: kernel.13.cloned.1.call-start
scs
__scs_entry_jumppad:
0x0: {  	(pc) =	sbr.rel $0x88, $3  }
0x1: {  	(tag) =	ssettag $0x0;
	lr =	simm.s32 $0x1  }
0x2: {  	[smem:$0x3F9D] =	sst lr;
	_ =	strace $0xD0000000  }
0x3: {  	_ = 	snop  }
0x4: {  	_ = 	snop  }
0x5: {  	_ = 	snop  }
0x6: {  	_ = 	snop  }
0x7: {  	_ = 	snop  }
__scs_overlays_trampoline_lowered:
0x8: {  	[smem:$0x3FAC] =	sst s0  }
0x9: {  	[smem:$0x3FAD] =	sst s1  }
0xa: {  	[smem:$0x3FAE] =	sst s2  }
0xb: {  	[smem:$0x3FAF] =	sst s3  }
0xc: {  	[smem:$0x3FB0] =	sst s4  }
0xd: {  	[smem:$0x3FB1] =	sst s5  }
0xe: {  	[smem:$0x3FB2] =	sst s6  }
0xf: {  	[smem:$0x3FB3] =	sst s7  }
0x10: {  	[smem:$0x3FB4] =	sst s8  }
0x11: {  	[smem:$0x3FB5] =	sst s9;
	s0 =	simm.s32 @!p0 $0x0  }
0x12: {  	s1 =	sld [smem:$0x3F9B];
	s0 =	simm.s32 @p0 $0x1  }
0x13: {  	[smem:$0x3FB6] =	sst s0;
	s0 =	simm.s32 @!p1 $0x0  }
0x14: {  	s2 =	sld [smem:$0x3F9A];
	s0 =	simm.s32 @p1 $0x1  }
0x15: {  	[smem:$0x3FB7] =	sst s0;
	s0 =	simm.s32 @!p2 $0x0  }
0x16: {  	s3 =	sld [smem:$0x3FDB];
	s0 =	simm.s32 @p2 $0x1  }
0x17: {  	s4 =	simm.s32 $0x1BF5;
	[smem:$0x3FB9] =	sst s0  }
0x18: {  	s0 =	sld [smem:$0x3F9C];
	_ =	swait.ge [sflag:s4], $0x0  }
0x19: {  	s7 =	sld [smem:$0x3F9D]  }
0x1a: {  	s8 =	sadd.s32 $0xFFFFE003, lr  }
0x1b: {  	s9 =	sadd.s32 $0xFFFFFEF7, lr;
	s5 =	simm.s32 $0xFFFFFFFF;
	p2 =	slt.u32 s8, $0xFFFFF086  }
0x1c: {  	p1 =	slt.u32 s9, $0xF7A;
	s5 =	simm.s32 @!p2 $0x0  }
0x1d: {  	s5 =	simm.s32 @p1 $0x1;
	p0 =	seq.s32 s7, s2  }
0x1e: {  	s7 =	smul.u32 @!p0 $0xF7A, s2;
	p2 =	seq.s32 @!p0 s5, $0x0  }
0x1f: {  	s9 =	smul.u32 $0xF7A, s1;
	s8 =	simm.s32 @!p0 $0x1BF5;
	p2 =	por !p2, p0  }
0x20: {  	[sflag:s8] =	ssyncset.s32 @!p0 $0xFFFFF086;
	s6 =	sadd.s32 @!p0 s3, s7;
	s7 =	simm.s32 @!p0 $0x108  }
0x21: {  	s3 =	sadd.s32 s3, s9;
	s6 =	sadd.s32 @!p0 $0x88, s6;
	s7 =	simm.s32 @p2 $0x1082  }
0x22: {  	[simem:s7], [sflag:s8] =	dma.local @!p0 [hbm:s6], $0xF7A  }
0x23: {  	s9 =	sor.u32 $0xD0000000, s2;
	s6 =	simm.s32 $0x108;
	_ =	swait.ge @!p0 [sflag:s8], $0x0  }
0x24: {  	s3 =	sadd.s32 $0x88, s3;
	s6 =	simm.s32 @!p1 $0x1082;
	[sflag:s4] =	ssyncset.s32 $0xFFFFF086  }
0x25: {  	[simem:s6], [sflag:s4] =	dma.local [hbm:s3], $0xF7A  }
0x26: {  	[smem:$0x3F9D] =	sst s1;
	(tag) =	ssettag s2;
	_ =	strace s9  }
0x27: {  	s1 =	sld [smem:$0x3FAD]  }
0x28: {  	s2 =	sld [smem:$0x3FAE]  }
0x29: {  	s4 =	sld [smem:$0x3FB0]  }
0x2a: {  	p0 =	seq.s32 s5, $0x0;
	s5 =	sld [smem:$0x3FB1]  }
0x2b: {  	s6 =	sld [smem:$0x3FB2]  }
0x2c: {  	s7 =	sld [smem:$0x3FB3]  }
0x2d: {  	s3 =	simm.s32 $0x108;
	s8 =	sld [smem:$0x3FB4]  }
0x2e: {  	s3 =	simm.s32 @!p0 $0x1082;
	s9 =	sld [smem:$0x3FB5]  }
0x2f: {  	lr =	sadd.s32 s0, s3;
	s0 =	sld [smem:$0x3FAC]  }
0x30: {  	s3 =	sld [smem:$0x3FAF]  }
0x31: {  	[smem:$0x3FB8] =	sst s10  }
0x32: {  	s10 =	sld [smem:$0x3FB6];
	_ =	sdelay $0x3  }
0x33: {  	p0 =	seq.s32 s10, $0x1;
	s10 =	sld [smem:$0x3FB8];
	_ =	sdelay $0x3  }
0x34: {  	[smem:$0x3FB8] =	sst s10  }
0x35: {  	s10 =	sld [smem:$0x3FB7];
	_ =	sdelay $0x3  }
0x36: {  	p1 =	seq.s32 s10, $0x1;
	s10 =	sld [smem:$0x3FB8];
	_ =	sdelay $0x3  }
0x37: {  	[smem:$0x3FB8] =	sst s10  }
0x38: {  	s10 =	sld [smem:$0x3FB9]  }
0x39: {  	_ = 	snop;
	(pc) =	sbr.ind lr, $3  }
0x3a: {  	_ = 	snop  }
0x3b: {  	_ = 	snop  }
0x3c: {  	p2 =	seq.s32 s10, $0x1;
	s10 =	sld [smem:$0x3FB8]  }
0x3d: {  	_ =	shalt  }
0x3e: {  	_ =	shalt  }
0x3f: {  	_ =	shalt  }
0x40: {  	_ =	shalt  }
0x41: {  	_ =	shalt  }
0x42: {  	_ =	shalt  }
0x43: {  	_ =	shalt  }
0x44: {  	_ =	shalt  }
0x45: {  	_ =	shalt  }
0x46: {  	_ =	shalt  }
0x47: {  	_ =	shalt  }
0x48: {  	_ =	shalt  }
0x49: {  	_ =	shalt  }
0x4a: {  	_ =	shalt  }
0x4b: {  	_ =	shalt  }
0x4c: {  	_ =	shalt  }
0x4d: {  	_ =	shalt  }
0x4e: {  	_ =	shalt  }
0x4f: {  	_ =	shalt  }
0x50: {  	_ =	shalt  }
0x51: {  	_ =	shalt  }
0x52: {  	_ =	shalt  }
0x53: {  	_ =	shalt  }
0x54: {  	_ =	shalt  }
0x55: {  	_ =	shalt  }
0x56: {  	_ =	shalt  }
0x57: {  	_ =	shalt  }
0x58: {  	_ =	shalt  }
0x59: {  	_ =	shalt  }
0x5a: {  	_ =	shalt  }
0x5b: {  	_ =	shalt  }
0x5c: {  	_ =	shalt  }
0x5d: {  	_ =	shalt  }
0x5e: {  	_ =	shalt  }
0x5f: {  	_ =	shalt  }
0x60: {  	_ =	shalt  }
0x61: {  	_ =	shalt  }
0x62: {  	_ =	shalt  }
0x63: {  	_ =	shalt  }
0x64: {  	_ =	shalt  }
0x65: {  	_ =	shalt  }
0x66: {  	_ =	shalt  }
0x67: {  	_ =	shalt  }
0x68: {  	_ =	shalt  }
0x69: {  	_ =	shalt  }
0x6a: {  	_ =	shalt  }
0x6b: {  	_ =	shalt  }
0x6c: {  	_ =	shalt  }
0x6d: {  	_ =	shalt  }
0x6e: {  	_ =	shalt  }
0x6f: {  	_ =	shalt  }
0x70: {  	_ =	shalt  }
0x71: {  	_ =	shalt  }
0x72: {  	_ =	shalt  }
0x73: {  	_ =	shalt  }
0x74: {  	_ =	shalt  }
0x75: {  	_ =	shalt  }
0x76: {  	_ =	shalt  }
0x77: {  	_ =	shalt  }
0x78: {  	_ =	shalt  }
0x79: {  	_ =	shalt  }
0x7a: {  	_ =	shalt  }
0x7b: {  	_ =	shalt  }
0x7c: {  	_ =	shalt  }
0x7d: {  	_ =	shalt  }
0x7e: {  	_ =	shalt  }
0x7f: {  	_ =	shalt  }
0x80: {  	_ =	shalt  }
0x81: {  	_ =	shalt  }
0x82: {  	_ =	shalt  }
0x83: {  	_ =	shalt  }
0x84: {  	_ =	shalt  }
0x85: {  	_ =	shalt  }
0x86: {  	_ =	shalt  }
0x87: {  	_ =	shalt  }
.Lfunc_end0:
.L_simem_size_0:
called_computation.1_lowered:
.L_overlay_start_0:
0x88: {  	s2 =	sld [smem:$0x3FD9]  }
0x89: {  	s3 =	sld [smem:$0x3FFE];
	_ =	sdelay $0x1  }
0x8a: {  	s1 =	srdreg.scid  }
0x8b: {  	s0 =	sand.u32 $0x1, s1  }
0x8c: {  	s17 =	sshll.u32 s0, $0xA;
	s2 =	sadd.s32 s3, s2  }
0x8d: {  	s2 =	sadd.s32 s2, s17  }
0x8e: {  	[smem:$0x3FC4] =	sst s2  }
0x8f: {  	_ = 	snop  }
0x90: {  	(tm) =	ssettm $0x1  }
0x91: {  	s18 =	sld [smem:$0x3FFB];
	_ =	sdelay $0x3  }
0x92: {  	_ =	strace s18  }
0x93: {  	s2 =	sld [smem:$0x3FFC];
	_ =	sdelay $0x3  }
0x94: {  	_ =	strace s2  }
0x95: {  	s2 =	sld [smem:$0x3FFD];
	_ =	sdelay $0x3  }
0x96: {  	_ =	strace s2  }
0x97: {  	_ =	strace $0x8FFFFFFF  }
0x98: {  	s19 =	sld [smem:$0x3FDB];
	_ =	sdelay $0x1  }
0x99: {  	s20 =	simm.s32 $_scs_section_size  }
0x9a: {  	s4 =	simm.s32 $_size__tile_overlayer_lowered;
	s5 =	simm.s32 $_tile_overlayer_lowered  }
0x9b: {  	s6 =	simm.s32 $0x1BFF;
	s21 =	sshll.u32 s5, $0x1;
	s3 =	sadd.s32 s20, s19  }
0x9c: {  	s22 =	simm.s32 $0x0;
	s4 =	sshll.u32 s4, $0x1;
	s5 =	sadd.s32 s21, s3  }
0x9d: {  	[timem:s22], [sflag:s6] =	dma.local [hbm:s5], s4  }
0x9e: {  	_ =	swait.ge [sflag:s6], s4  }
0x9f: {  	s4 =	ssub.s32 $0x0, s4;
	[sflag:s6] =	ssyncset.done $0x0  }
0xa0: {  	[sflag:s6] =	ssyncadd.s32 s4;
	_ =	sdelay $0x1  }
0xa1: {  	s23 =	simm.s32 $0x1B8B  }
0xa2: {  	_ =	swait.ge [sflag:s23], $0x1  }
0xa3: {  	[sflag:s23] =	ssyncset.done $0x0  }
0xa4: {  	[sflag:s23] =	ssyncadd.s32 $0xFFFFFFFF  }
0xa5: {  	s4 =	sld [smem:$0x0]  }
0xa6: {  	s5 =	sand.u32 $0xFFFFFFFE, s1  }
0xa7: {  	p0 =	sne.s32 s1, s5  }
0xa8: {  	s5 =	sshll.u32 @p0 s5, $0xE  }
0xa9: {  	s5 =	sadd.s32 @p0 $0x11B8D, s5;
	s6 =	sshll.u32 @p0 s4, $0x11  }
0xaa: {  	s5 =	sor.u32 @p0 s6, s5  }
0xab: {  	[sflag:s5] =	ssyncadd.remote.s32 @p0 $0x1;
	_ =	sdelay $0x1  }
0xac: {  	s5 =	simm.s32 @p0 $0x1B8D  }
0xad: {  	_ =	swait.eq @p0 [sflag:s5], $0x1  }
0xae: {  	[sflag:s5] =	ssyncadd.s32 @p0 $0xFFFFFFFF  }
0xaf: {  	s6 =	sshll.u32 @!p0 s1, $0xE  }
0xb0: {  	s6 =	sor.u32 @!p0 $0x4000, s6;
	s5 =	simm.s32 @!p0 $0x1B8D  }
0xb1: {  	s4 =	sshll.u32 @!p0 s4, $0x11;
	s6 =	sadd.s32 @!p0 $0x11B8D, s6;
	_ =	swait.eq @!p0 [sflag:s5], $0x1  }
0xb2: {  	s4 =	sor.u32 @!p0 s4, s6;
	[sflag:s5] =	ssyncadd.s32 @!p0 $0xFFFFFFFF  }
0xb3: {  	s25 =	simm.s32 $0x1B8E;
	s24 =	sld [smem:$0x3FFE];
	[sflag:s4] =	ssyncadd.remote.s32 @!p0 $0x1  }
0xb4: {  	s26 =	simm.s32 $execute0_lowered;
	[smem:$0x3FD2] =	sst s25  }
0xb5: {  	s5 =	sshll.u32 s26, $0x1;
	_ =	strace $0x80000049;
	[dreg:$0x1] =	wrdreg $0xFFFFFFFF  }
0xb6: {  	s28 =	simm.s32 $_size_execute0_lowered;
	s3 =	sadd.s32 s3, s5;
	[dreg:$0x0] =	wrdreg $0x0  }
0xb7: {  	s5 =	sshll.u32 s28, $0x1;
	[dreg:$0x2] =	wrdreg s3  }
0xb8: {  	[dreg:$0x3] =	wrdreg s5  }
0xb9: {  	[dreg:$0x4] =	wrdreg $0xC0  }
0xba: {  	_ =	task [dreg:s22], $0x5FFFF  }
0xbb: {  	[dreg:$0x1] =	wrdreg $0xFFFFFFFF  }
0xbc: {  	[dreg:$0x0] =	wrdreg $0x60  }
0xbd: {  	[dreg:$0x2] =	wrdreg s24  }
0xbe: {  	[dreg:$0x3] =	wrdreg $0xA  }
0xbf: {  	_ =	task.clear_ibuf [dreg:s22], $0x4FFFF;
	_ =	strace $0x90000049  }
0xc0: {  	s29 =	simm.s32 $0xA;
	_ =	strace $0x8000004B  }
0xc1: {  	_ =	swait.ge [sflag:s29], $0x1  }
0xc2: {  	[sflag:s29] =	ssyncadd.s32 $0xFFFFFFFF  }
0xc3: {  	_ =	strace $0x9000004B  }
0xc4: {  	_ =	sfence  }
0xc5: {  	s30 =	sld [smem:$0x0];
	_ =	sdelay $0x2  }
0xc6: {  	s31 =	sshll.u32 s1, $0xD;
	s1 =	sshrl.u32 s1, $0x2  }
0xc7: {  	s4 =	sand.u32 $0x4000, s31;
	s1 =	sadd.s32 s1, s30  }
0xc8: {  	s0 =	sor.u32 s4, s0;
	s1 =	sshll.u32 s1, $0x11  }
0xc9: {  	s0 =	sor.u32 s1, s0  }
0xca: {  	s0 =	sadd.s32 $0x8F2B, s0  }
0xcb: {  	[sflag:s0] =	ssyncadd.remote.s32 $0x1  }
0xcc: {  	_ =	sfence.sel $0xFFFF  }
0xcd: {  	[dreg:$0x0] =	wrdreg $0xFFFFFFFF;
	(pc) =	sbr.abs _section_cstart, $3  }
0xce: {  	[dreg:$0x1] =	wrdreg $0xFFFFFFFF  }
0xcf: {  	_ =	task.clear_ibuf [dreg:s22], $0x2FFFF;
	_ =	strace $0x9FFFFFFF  }
0xd0: {  	(tm) =	ssettm $0x7FFFFFFF  }
0xd1: {  	_ =	shalt  }
tec
execute0_lowered:
.L_overlay_start_1:
0x0: {  	(tag) =	ssettag $0x1  }
0x1: {  	s4 =	rddreg [dreg:$0x0]  }
0x2: {  	s0 =	rddreg [dreg:$0x1]  }
0x3: {  	s2 =	simm.s32 $0x0;
	s3 =	srdreg.scid;
	s1 =	stileid.u32  }
0x4: {  	s9 =	simm.s32 $0x3;
	s10 =	simm.s32 $0x4;
	s11 =	simm.s32 $0x0  }
0x5: {  	[smem:$0x7FF] =	sst s2;
	s5 =	sand.u32 $0x1, s3;
	s6 =	sshll.u32 s1, $0x1  }
0x6: {  	s3 =	sadd.s32 $0x1E00, s4;
	_ =	strace $0x8000004A;
	s6 =	sor.u32 s5, s6  }
0x7: {  	s5 =	ssub.s32 $0x2, s5;
	s7 =	sshll.u32 s6, $0x6;
	s6 =	sshll.u32 s6, $0xD  }
0x8: {  	s31 =	sshrl.u32 s5, $0x1;
	s7 =	sadd.s32 s7, s4;
	s6 =	sadd.s32 s6, s4  }
0x9: {  	s8 =	ssub.s32 s5, s31;
	s4 =	sadd.s32 $0x5E00, s7;
	s5 =	sadd.s32 $0x6600, s6  }
0xa: {  	s6 =	smax.u32 s8, $0x1;
	s7 =	simm.s32 $0x5;
	s8 =	simm.s32 $0x80  }
.LBB2_1:
0xb: {  	[tilespmem:s2], [sflag:$0x5] =	stream.linear.gather [hbm4b:s4+s2], $0x200, $0x38;
	[tilespmem:$0x10200] =	vst v63  }
0xc: {  	_ =	swait.ge [sflag:s7], $0x200  }
0xd: {  	[sflag:s7] =	ssyncset.done $0x0  }
0xe: {  	p0 =	por $0x0, $0x0;
	s12 =	simm.s32 $0x0;
	[sflag:s7] =	ssyncadd.s32 $0xFFFFFE00  }
.LBB2_2:
0xf: {  	s13 =	sand.u32 $0x1, s12;
	p1 =	slt.u32 s12, $0x2  }
0x10: {  	s15 =	simm.s32 $0x1;
	s14 =	sadd.s32 @!p1 $0x3, s13  }
0x11: {  	s15 =	simm.s32 @!p0 $0x0;
	_ =	swait.ge @!p1 [sflag:s14], $0x4000  }
0x12: {  	s16 =	sshll.u32 s12, $0x7;
	s15 =	sshll.u32 s15, $0xE;
	[sflag:s14] =	ssyncset.done @!p1 $0x0  }
0x13: {  	s31 =	sor.u32 $0x200, s15;
	[sflag:s14] =	ssyncadd.s32 @!p1 $0xFFFFC000;
	s14 =	sshll.u32 s13, $0xE  }
0x14: {  	s16 =	sand.u32 $0x3FFFFF80, s16;
	s18 =	sadd.s32 $0x1, s13;
	v1 =	vmov s31;
	s17 =	sor.u32 $0x200, s14  }
0x15: {  	[tilespmem:s17], [sflag:s18] =	stream.indirect.gather [hbm4b:s3+s8], $0x80, s16, s8, $0xb8;
	[tilespmem:$0x10200] =	vst v63  }
0x16: {  	_ =	swait.ge [sflag:s18], $0x4000  }
0x17: {  	s15 =	sor.u32 $0x8200, s15;
	[sflag:s18] =	ssyncset.done $0x0  }
0x18: {  	v0 =	vmov s15;
	s15 =	simm.s32 $0x0;
	s16 =	simm.s32 $0x200;
	[sflag:s18] =	ssyncadd.s32 $0xFFFFC000  }
.LBB2_3:
0x19: {  	p1 =	sne.s32 s16, $0xFE00;
	v2 =	vld.idx.msk [tilespmem:v1+s15+$0x0 ss:$0x1], $0xffff;
	_ =	sdelay $0x5  }
0x1a: {  	[tilespmem:v0+s15+$0x0 ss:$0x1] =	vst.idx.msk $0xffff, v2  }
0x1b: {  	v2 =	vld.idx.msk [tilespmem:v1+s15+$0x10 ss:$0x1], $0xffff;
	_ =	sdelay $0x1  }
.Ltmp0:
0x1c: {  	(pc) =	sbr.rel @p1 .LBB2_3-.Ltmp0, $2  }
0x1d: {  	_ =	sdelay $0x2  }
0x1e: {  	[tilespmem:v0+s15+$0x10 ss:$0x1] =	vst.idx.msk $0xffff, v2;
	s15 =	sshra.s32 s16, $0x2;
	s16 =	sadd.s32 $0x200, s16  }
0x1f: {  	_ =	sdelay $0x3  }
0x20: {  	v2 =	vld.idx.msk [tilespmem:v1+s15+$0x0 ss:$0x1], $0xffff;
	_ =	sdelay $0x4  }
0x21: {  	[tilespmem:v0+s15+$0x0 ss:$0x1] =	vst.idx.msk $0xffff, v2  }
0x22: {  	s16 =	sshll.u32 s12, $0xB;
	s12 =	sadd.s32 $0x1, s12;
	v63 =	vld.idx.msk [tilespmem:v1+s15+$0x10 ss:$0x1], $0xffff  }
0x23: {  	p1 =	sne.s32 s12, $0x4  }
.Ltmp1:
0x24: {  	_ = 	snop;
	(pc) =	sbr.rel @p1 .LBB2_2-.Ltmp1, $4  }
0x25: {  	_ = 	snop  }
0x26: {  	s13 =	sadd.s32 $0x3, s13  }
0x27: {  	s14 =	sadd.s32 $0x8200, s14;
	p0 =	por !p0, !p0;
	s31 =	sadd.s32 s16, s5;
	[tilespmem:v0+s15+$0x10 ss:$0x1] =	vst.idx.msk $0xffff, v63  }
0x28: {  	[hbm4b:s31+s2] =	stream.linear.scatter [tilespmem:s14], [sflag:s13], $0x4000, $0x38;
	[tilespmem:$0x10200] =	vst v63  }
0x29: {  	s11 =	sadd.s32 $0x1, s11  }
0x2a: {  	_ =	swait.ge [sflag:s9], $0x4000;
	p0 =	sne.s32 s11, s6  }
.Ltmp2:
0x2b: {  	[sflag:s9] =	ssyncset.done $0x0;
	(pc) =	sbr.rel @p0 .LBB2_1-.Ltmp2, $4  }
0x2c: {  	[sflag:s9] =	ssyncadd.s32 $0xFFFFC000  }
0x2d: {  	_ =	swait.ge [sflag:s10], $0x4000  }
0x2e: {  	[sflag:s10] =	ssyncset.done $0x0  }
0x2f: {  	[sflag:s10] =	ssyncadd.s32 $0xFFFFC000  }
0x30: {  	_ =	sfence.sel $0x180000  }
0x31: {  	[bflag:$0x0] =	sbarrier.arrive $0xFFFF  }
0x32: {  	p0 =	sne.s32 s1, $0x0;
	_ =	strace $0x9000004A  }
0x33: {  	s0 =	sadd.s32 @!p0 $0x100000, s0;
	[bflag:$0x2] =	sbarrier.arrive $0xFFFF  }
0x34: {  	[sflag:s0] =	ssyncadd.tile.s32 @!p0 $0x1;
	_ =	shalt  }
.Lfunc_end2:
_tile_overlayer_lowered:
.L_overlay_start_2:
0x35: {  	(tag) =	ssettag $0x2  }
0x36: {  	s0 =	rddreg [dreg:$0x0];
	s2 =	stileid.u32  }
0x37: {  	s1 =	rddreg [dreg:$0x1];
	p0 =	sne.s32 s2, $0x0  }
0x38: {  	s3 =	rddreg [dreg:$0x2];
	[bflag:$0x3] =	sbarrier.arrive $0xFFFF;
	s2 =	simm.s32 @!p0 $0x1C05  }
0x39: {  	[timem:s3], [sflag:s2] =	dma.local @!p0 [hbm:s0], s1  }
0x3a: {  	s0 =	simm.s32 @!p0 $0x5  }
0x3b: {  	_ =	swait.ge @!p0 [sflag:s0], s1  }
0x3c: {  	s1 =	ssub.s32 @!p0 $0x0, s1;
	[sflag:s0] =	ssyncset.done @!p0 $0x0  }
0x3d: {  	[sflag:s0] =	ssyncadd.s32 @!p0 s1  }
0x3e: {  	[bflag:$0x3] =	sbarrier.arrive $0xFFFF  }
0x3f: {  	_ =	shalt  }

// kernel: kernel.16.cloned.1.call-start
scs
__scs_entry_jumppad:
0x0: {  	(pc) =	sbr.rel $0x88, $3  }
0x1: {  	(tag) =	ssettag $0x0;
	lr =	simm.s32 $0x1  }
0x2: {  	[smem:$0x3F9D] =	sst lr;
	_ =	strace $0xD0000000  }
0x3: {  	_ = 	snop  }
0x4: {  	_ = 	snop  }
0x5: {  	_ = 	snop  }
0x6: {  	_ = 	snop  }
0x7: {  	_ = 	snop  }
__scs_overlays_trampoline_lowered:
0x8: {  	[smem:$0x3FAC] =	sst s0  }
0x9: {  	[smem:$0x3FAD] =	sst s1  }
0xa: {  	[smem:$0x3FAE] =	sst s2  }
0xb: {  	[smem:$0x3FAF] =	sst s3  }
0xc: {  	[smem:$0x3FB0] =	sst s4  }
0xd: {  	[smem:$0x3FB1] =	sst s5  }
0xe: {  	[smem:$0x3FB2] =	sst s6  }
0xf: {  	[smem:$0x3FB3] =	sst s7  }
0x10: {  	[smem:$0x3FB4] =	sst s8  }
0x11: {  	[smem:$0x3FB5] =	sst s9;
	s0 =	simm.s32 @!p0 $0x0  }
0x12: {  	s1 =	sld [smem:$0x3F9B];
	s0 =	simm.s32 @p0 $0x1  }
0x13: {  	[smem:$0x3FB6] =	sst s0;
	s0 =	simm.s32 @!p1 $0x0  }
0x14: {  	s2 =	sld [smem:$0x3F9A];
	s0 =	simm.s32 @p1 $0x1  }
0x15: {  	[smem:$0x3FB7] =	sst s0;
	s0 =	simm.s32 @!p2 $0x0  }
0x16: {  	s3 =	sld [smem:$0x3FDB];
	s0 =	simm.s32 @p2 $0x1  }
0x17: {  	s4 =	simm.s32 $0x1BF5;
	[smem:$0x3FB9] =	sst s0  }
0x18: {  	s0 =	sld [smem:$0x3F9C];
	_ =	swait.ge [sflag:s4], $0x0  }
0x19: {  	s7 =	sld [smem:$0x3F9D]  }
0x1a: {  	s8 =	sadd.s32 $0xFFFFE003, lr  }
0x1b: {  	s9 =	sadd.s32 $0xFFFFFEF7, lr;
	s5 =	simm.s32 $0xFFFFFFFF;
	p2 =	slt.u32 s8, $0xFFFFF086  }
0x1c: {  	p1 =	slt.u32 s9, $0xF7A;
	s5 =	simm.s32 @!p2 $0x0  }
0x1d: {  	s5 =	simm.s32 @p1 $0x1;
	p0 =	seq.s32 s7, s2  }
0x1e: {  	s7 =	smul.u32 @!p0 $0xF7A, s2;
	p2 =	seq.s32 @!p0 s5, $0x0  }
0x1f: {  	s9 =	smul.u32 $0xF7A, s1;
	s8 =	simm.s32 @!p0 $0x1BF5;
	p2 =	por !p2, p0  }
0x20: {  	[sflag:s8] =	ssyncset.s32 @!p0 $0xFFFFF086;
	s6 =	sadd.s32 @!p0 s3, s7;
	s7 =	simm.s32 @!p0 $0x108  }
0x21: {  	s3 =	sadd.s32 s3, s9;
	s6 =	sadd.s32 @!p0 $0x88, s6;
	s7 =	simm.s32 @p2 $0x1082  }
0x22: {  	[simem:s7], [sflag:s8] =	dma.local @!p0 [hbm:s6], $0xF7A  }
0x23: {  	s9 =	sor.u32 $0xD0000000, s2;
	s6 =	simm.s32 $0x108;
	_ =	swait.ge @!p0 [sflag:s8], $0x0  }
0x24: {  	s3 =	sadd.s32 $0x88, s3;
	s6 =	simm.s32 @!p1 $0x1082;
	[sflag:s4] =	ssyncset.s32 $0xFFFFF086  }
0x25: {  	[simem:s6], [sflag:s4] =	dma.local [hbm:s3], $0xF7A  }
0x26: {  	[smem:$0x3F9D] =	sst s1;
	(tag) =	ssettag s2;
	_ =	strace s9  }
0x27: {  	s1 =	sld [smem:$0x3FAD]  }
0x28: {  	s2 =	sld [smem:$0x3FAE]  }
0x29: {  	s4 =	sld [smem:$0x3FB0]  }
0x2a: {  	p0 =	seq.s32 s5, $0x0;
	s5 =	sld [smem:$0x3FB1]  }
0x2b: {  	s6 =	sld [smem:$0x3FB2]  }
0x2c: {  	s7 =	sld [smem:$0x3FB3]  }
0x2d: {  	s3 =	simm.s32 $0x108;
	s8 =	sld [smem:$0x3FB4]  }
0x2e: {  	s3 =	simm.s32 @!p0 $0x1082;
	s9 =	sld [smem:$0x3FB5]  }
0x2f: {  	lr =	sadd.s32 s0, s3;
	s0 =	sld [smem:$0x3FAC]  }
0x30: {  	s3 =	sld [smem:$0x3FAF]  }
0x31: {  	[smem:$0x3FB8] =	sst s10  }
0x32: {  	s10 =	sld [smem:$0x3FB6];
	_ =	sdelay $0x3  }
0x33: {  	p0 =	seq.s32 s10, $0x1;
	s10 =	sld [smem:$0x3FB8];
	_ =	sdelay $0x3  }
0x34: {  	[smem:$0x3FB8] =	sst s10  }
0x35: {  	s10 =	sld [smem:$0x3FB7];
	_ =	sdelay $0x3  }
0x36: {  	p1 =	seq.s32 s10, $0x1;
	s10 =	sld [smem:$0x3FB8];
	_ =	sdelay $0x3  }
0x37: {  	[smem:$0x3FB8] =	sst s10  }
0x38: {  	s10 =	sld [smem:$0x3FB9]  }
0x39: {  	_ = 	snop;
	(pc) =	sbr.ind lr, $3  }
0x3a: {  	_ = 	snop  }
0x3b: {  	_ = 	snop  }
0x3c: {  	p2 =	seq.s32 s10, $0x1;
	s10 =	sld [smem:$0x3FB8]  }
0x3d: {  	_ =	shalt  }
0x3e: {  	_ =	shalt  }
0x3f: {  	_ =	shalt  }
0x40: {  	_ =	shalt  }
0x41: {  	_ =	shalt  }
0x42: {  	_ =	shalt  }
0x43: {  	_ =	shalt  }
0x44: {  	_ =	shalt  }
0x45: {  	_ =	shalt  }
0x46: {  	_ =	shalt  }
0x47: {  	_ =	shalt  }
0x48: {  	_ =	shalt  }
0x49: {  	_ =	shalt  }
0x4a: {  	_ =	shalt  }
0x4b: {  	_ =	shalt  }
0x4c: {  	_ =	shalt  }
0x4d: {  	_ =	shalt  }
0x4e: {  	_ =	shalt  }
0x4f: {  	_ =	shalt  }
0x50: {  	_ =	shalt  }
0x51: {  	_ =	shalt  }
0x52: {  	_ =	shalt  }
0x53: {  	_ =	shalt  }
0x54: {  	_ =	shalt  }
0x55: {  	_ =	shalt  }
0x56: {  	_ =	shalt  }
0x57: {  	_ =	shalt  }
0x58: {  	_ =	shalt  }
0x59: {  	_ =	shalt  }
0x5a: {  	_ =	shalt  }
0x5b: {  	_ =	shalt  }
0x5c: {  	_ =	shalt  }
0x5d: {  	_ =	shalt  }
0x5e: {  	_ =	shalt  }
0x5f: {  	_ =	shalt  }
0x60: {  	_ =	shalt  }
0x61: {  	_ =	shalt  }
0x62: {  	_ =	shalt  }
0x63: {  	_ =	shalt  }
0x64: {  	_ =	shalt  }
0x65: {  	_ =	shalt  }
0x66: {  	_ =	shalt  }
0x67: {  	_ =	shalt  }
0x68: {  	_ =	shalt  }
0x69: {  	_ =	shalt  }
0x6a: {  	_ =	shalt  }
0x6b: {  	_ =	shalt  }
0x6c: {  	_ =	shalt  }
0x6d: {  	_ =	shalt  }
0x6e: {  	_ =	shalt  }
0x6f: {  	_ =	shalt  }
0x70: {  	_ =	shalt  }
0x71: {  	_ =	shalt  }
0x72: {  	_ =	shalt  }
0x73: {  	_ =	shalt  }
0x74: {  	_ =	shalt  }
0x75: {  	_ =	shalt  }
0x76: {  	_ =	shalt  }
0x77: {  	_ =	shalt  }
0x78: {  	_ =	shalt  }
0x79: {  	_ =	shalt  }
0x7a: {  	_ =	shalt  }
0x7b: {  	_ =	shalt  }
0x7c: {  	_ =	shalt  }
0x7d: {  	_ =	shalt  }
0x7e: {  	_ =	shalt  }
0x7f: {  	_ =	shalt  }
0x80: {  	_ =	shalt  }
0x81: {  	_ =	shalt  }
0x82: {  	_ =	shalt  }
0x83: {  	_ =	shalt  }
0x84: {  	_ =	shalt  }
0x85: {  	_ =	shalt  }
0x86: {  	_ =	shalt  }
0x87: {  	_ =	shalt  }
.Lfunc_end0:
.L_simem_size_0:
called_computation.2_lowered:
.L_overlay_start_0:
0x88: {  	s2 =	sld [smem:$0x3FD9]  }
0x89: {  	s3 =	sld [smem:$0x3FFE];
	_ =	sdelay $0x1  }
0x8a: {  	s1 =	srdreg.scid  }
0x8b: {  	s0 =	sand.u32 $0x1, s1  }
0x8c: {  	s17 =	sshll.u32 s0, $0xA;
	s2 =	sadd.s32 s3, s2  }
0x8d: {  	s2 =	sadd.s32 s2, s17  }
0x8e: {  	[smem:$0x3FC4] =	sst s2  }
0x8f: {  	_ = 	snop  }
0x90: {  	(tm) =	ssettm $0x1  }
0x91: {  	s18 =	sld [smem:$0x3FFB];
	_ =	sdelay $0x3  }
0x92: {  	_ =	strace s18  }
0x93: {  	s2 =	sld [smem:$0x3FFC];
	_ =	sdelay $0x3  }
0x94: {  	_ =	strace s2  }
0x95: {  	s2 =	sld [smem:$0x3FFD];
	_ =	sdelay $0x3  }
0x96: {  	_ =	strace s2  }
0x97: {  	_ =	strace $0x8FFFFFFF  }
0x98: {  	s19 =	sld [smem:$0x3FDB];
	_ =	sdelay $0x1  }
0x99: {  	s20 =	simm.s32 $_scs_section_size  }
0x9a: {  	s4 =	simm.s32 $_size__tile_overlayer_lowered;
	s5 =	simm.s32 $_tile_overlayer_lowered  }
0x9b: {  	s6 =	simm.s32 $0x1BFF;
	s21 =	sshll.u32 s5, $0x1;
	s3 =	sadd.s32 s20, s19  }
0x9c: {  	s22 =	simm.s32 $0x0;
	s4 =	sshll.u32 s4, $0x1;
	s5 =	sadd.s32 s21, s3  }
0x9d: {  	[timem:s22], [sflag:s6] =	dma.local [hbm:s5], s4  }
0x9e: {  	_ =	swait.ge [sflag:s6], s4  }
0x9f: {  	s4 =	ssub.s32 $0x0, s4;
	[sflag:s6] =	ssyncset.done $0x0  }
0xa0: {  	[sflag:s6] =	ssyncadd.s32 s4;
	_ =	sdelay $0x1  }
0xa1: {  	s23 =	simm.s32 $0x1B8B  }
0xa2: {  	_ =	swait.ge [sflag:s23], $0x1  }
0xa3: {  	[sflag:s23] =	ssyncset.done $0x0  }
0xa4: {  	[sflag:s23] =	ssyncadd.s32 $0xFFFFFFFF  }
0xa5: {  	s4 =	sld [smem:$0x0]  }
0xa6: {  	s5 =	sand.u32 $0xFFFFFFFE, s1  }
0xa7: {  	p0 =	sne.s32 s1, s5  }
0xa8: {  	s5 =	sshll.u32 @p0 s5, $0xE  }
0xa9: {  	s5 =	sadd.s32 @p0 $0x11B8D, s5;
	s6 =	sshll.u32 @p0 s4, $0x11  }
0xaa: {  	s5 =	sor.u32 @p0 s6, s5  }
0xab: {  	[sflag:s5] =	ssyncadd.remote.s32 @p0 $0x1;
	_ =	sdelay $0x1  }
0xac: {  	s5 =	simm.s32 @p0 $0x1B8D  }
0xad: {  	_ =	swait.eq @p0 [sflag:s5], $0x1  }
0xae: {  	[sflag:s5] =	ssyncadd.s32 @p0 $0xFFFFFFFF  }
0xaf: {  	s6 =	sshll.u32 @!p0 s1, $0xE  }
0xb0: {  	s6 =	sor.u32 @!p0 $0x4000, s6;
	s5 =	simm.s32 @!p0 $0x1B8D  }
0xb1: {  	s4 =	sshll.u32 @!p0 s4, $0x11;
	s6 =	sadd.s32 @!p0 $0x11B8D, s6;
	_ =	swait.eq @!p0 [sflag:s5], $0x1  }
0xb2: {  	s4 =	sor.u32 @!p0 s4, s6;
	[sflag:s5] =	ssyncadd.s32 @!p0 $0xFFFFFFFF  }
0xb3: {  	s25 =	simm.s32 $0x1B8E;
	s24 =	sld [smem:$0x3FFE];
	[sflag:s4] =	ssyncadd.remote.s32 @!p0 $0x1  }
0xb4: {  	s26 =	simm.s32 $execute0_lowered;
	[smem:$0x3FD2] =	sst s25  }
0xb5: {  	s5 =	sshll.u32 s26, $0x1;
	_ =	strace $0x8000004C;
	[dreg:$0x1] =	wrdreg $0xFFFFFFFF  }
0xb6: {  	s28 =	simm.s32 $_size_execute0_lowered;
	s3 =	sadd.s32 s3, s5;
	[dreg:$0x0] =	wrdreg $0x0  }
0xb7: {  	s5 =	sshll.u32 s28, $0x1;
	[dreg:$0x2] =	wrdreg s3  }
0xb8: {  	[dreg:$0x3] =	wrdreg s5  }
0xb9: {  	[dreg:$0x4] =	wrdreg $0xC0  }
0xba: {  	_ =	task [dreg:s22], $0x5FFFF  }
0xbb: {  	[dreg:$0x1] =	wrdreg $0xFFFFFFFF  }
0xbc: {  	[dreg:$0x0] =	wrdreg $0x60  }
0xbd: {  	[dreg:$0x2] =	wrdreg s24  }
0xbe: {  	[dreg:$0x3] =	wrdreg $0xB  }
0xbf: {  	_ =	task.clear_ibuf [dreg:s22], $0x4FFFF;
	_ =	strace $0x9000004C  }
0xc0: {  	s29 =	simm.s32 $0xB;
	_ =	strace $0x8000004E  }
0xc1: {  	_ =	swait.ge [sflag:s29], $0x1  }
0xc2: {  	[sflag:s29] =	ssyncadd.s32 $0xFFFFFFFF  }
0xc3: {  	_ =	strace $0x9000004E  }
0xc4: {  	_ =	sfence  }
0xc5: {  	s30 =	sld [smem:$0x0];
	_ =	sdelay $0x2  }
0xc6: {  	s31 =	sshll.u32 s1, $0xD;
	s1 =	sshrl.u32 s1, $0x2  }
0xc7: {  	s4 =	sand.u32 $0x4000, s31;
	s1 =	sadd.s32 s1, s30  }
0xc8: {  	s0 =	sor.u32 s4, s0;
	s1 =	sshll.u32 s1, $0x11  }
0xc9: {  	s0 =	sor.u32 s1, s0  }
0xca: {  	s0 =	sadd.s32 $0x8F2B, s0  }
0xcb: {  	[sflag:s0] =	ssyncadd.remote.s32 $0x1  }
0xcc: {  	_ =	sfence.sel $0xFFFF  }
0xcd: {  	[dreg:$0x0] =	wrdreg $0xFFFFFFFF;
	(pc) =	sbr.abs _section_cstart, $3  }
0xce: {  	[dreg:$0x1] =	wrdreg $0xFFFFFFFF  }
0xcf: {  	_ =	task.clear_ibuf [dreg:s22], $0x2FFFF;
	_ =	strace $0x9FFFFFFF  }
0xd0: {  	(tm) =	ssettm $0x7FFFFFFF  }
0xd1: {  	_ =	shalt  }
tec
execute0_lowered:
.L_overlay_start_1:
0x0: {  	(tag) =	ssettag $0x1  }
0x1: {  	s4 =	rddreg [dreg:$0x0]  }
0x2: {  	s0 =	rddreg [dreg:$0x1];
	s3 =	srdreg.scid  }
0x3: {  	s1 =	stileid.u32;
	s2 =	simm.s32 $0x0;
	s9 =	simm.s32 $0x3  }
0x4: {  	s10 =	simm.s32 $0x4;
	s11 =	simm.s32 $0x0;
	s5 =	sand.u32 $0x1, s3  }
0x5: {  	s30 =	sshll.u32 s1, $0x1;
	[smem:$0x7FF] =	sst s2;
	s3 =	sadd.s32 $0x1E00, s4  }
0x6: {  	s8 =	sshll.u32 s1, $0xF;
	s6 =	sor.u32 s5, s30;
	_ =	strace $0x8000004D  }
0x7: {  	s5 =	ssub.s32 $0x2, s5;
	s8 =	sand.u32 $0x40000, s8;
	s7 =	sshll.u32 s6, $0xE  }
0x8: {  	s6 =	sshll.u32 s6, $0x7;
	s31 =	sshrl.u32 s5, $0x1;
	s7 =	sand.u32 $0x3C000, s7  }
0x9: {  	s7 =	sadd.s32 s7, s4;
	s4 =	sadd.s32 s6, s4;
	s6 =	ssub.s32 s5, s31  }
0xa: {  	s7 =	sadd.s32 s8, s7;
	s4 =	sadd.s32 $0x46600, s4;
	s6 =	smax.u32 s6, $0x1  }
0xb: {  	s8 =	simm.s32 $0x80;
	s5 =	sadd.s32 $0x47600, s7;
	s7 =	simm.s32 $0x5  }
.LBB2_1:
0xc: {  	[tilespmem:s2], [sflag:$0x5] =	stream.linear.gather [hbm4b:s4+s2], $0x400, $0x38;
	[tilespmem:$0x10400] =	vst v63  }
0xd: {  	_ =	swait.ge [sflag:s7], $0x400  }
0xe: {  	[sflag:s7] =	ssyncset.done $0x0  }
0xf: {  	p0 =	por $0x0, $0x0;
	s12 =	simm.s32 $0x0;
	[sflag:s7] =	ssyncadd.s32 $0xFFFFFC00  }
.LBB2_2:
0x10: {  	s13 =	sand.u32 $0x1, s12;
	p1 =	slt.u32 s12, $0x2  }
0x11: {  	s15 =	simm.s32 $0x1;
	s14 =	sadd.s32 @!p1 $0x3, s13  }
0x12: {  	s15 =	simm.s32 @!p0 $0x0;
	_ =	swait.ge @!p1 [sflag:s14], $0x4000  }
0x13: {  	s16 =	sshll.u32 s12, $0x7;
	s15 =	sshll.u32 s15, $0xE;
	[sflag:s14] =	ssyncset.done @!p1 $0x0  }
0x14: {  	s31 =	sor.u32 $0x400, s15;
	[sflag:s14] =	ssyncadd.s32 @!p1 $0xFFFFC000;
	s14 =	sshll.u32 s13, $0xE  }
0x15: {  	s16 =	sand.u32 $0x3FFFFF80, s16;
	s18 =	sadd.s32 $0x1, s13;
	v1 =	vmov s31;
	s17 =	sor.u32 $0x400, s14  }
0x16: {  	[tilespmem:s17], [sflag:s18] =	stream.indirect.gather [hbm4b:s3+s8], $0x80, s16, s8, $0xb8;
	[tilespmem:$0x10400] =	vst v63  }
0x17: {  	_ =	swait.ge [sflag:s18], $0x4000  }
0x18: {  	s15 =	sor.u32 $0x8400, s15;
	[sflag:s18] =	ssyncset.done $0x0  }
0x19: {  	v0 =	vmov s15;
	s15 =	simm.s32 $0x0;
	s16 =	simm.s32 $0x200;
	[sflag:s18] =	ssyncadd.s32 $0xFFFFC000  }
.LBB2_3:
0x1a: {  	p1 =	sne.s32 s16, $0xFE00;
	v2 =	vld.idx.msk [tilespmem:v1+s15+$0x0 ss:$0x1], $0xffff;
	_ =	sdelay $0x5  }
0x1b: {  	[tilespmem:v0+s15+$0x0 ss:$0x1] =	vst.idx.msk $0xffff, v2  }
0x1c: {  	v2 =	vld.idx.msk [tilespmem:v1+s15+$0x10 ss:$0x1], $0xffff;
	_ =	sdelay $0x1  }
.Ltmp0:
0x1d: {  	(pc) =	sbr.rel @p1 .LBB2_3-.Ltmp0, $2  }
0x1e: {  	_ =	sdelay $0x2  }
0x1f: {  	[tilespmem:v0+s15+$0x10 ss:$0x1] =	vst.idx.msk $0xffff, v2;
	s15 =	sshra.s32 s16, $0x2;
	s16 =	sadd.s32 $0x200, s16  }
0x20: {  	_ =	sdelay $0x3  }
0x21: {  	v2 =	vld.idx.msk [tilespmem:v1+s15+$0x0 ss:$0x1], $0xffff;
	_ =	sdelay $0x4  }
0x22: {  	[tilespmem:v0+s15+$0x0 ss:$0x1] =	vst.idx.msk $0xffff, v2  }
0x23: {  	s16 =	sshll.u32 s12, $0xB;
	s12 =	sadd.s32 $0x1, s12;
	v63 =	vld.idx.msk [tilespmem:v1+s15+$0x10 ss:$0x1], $0xffff  }
0x24: {  	p1 =	sne.s32 s12, $0x8  }
.Ltmp1:
0x25: {  	_ = 	snop;
	(pc) =	sbr.rel @p1 .LBB2_2-.Ltmp1, $4  }
0x26: {  	_ = 	snop  }
0x27: {  	s13 =	sadd.s32 $0x3, s13  }
0x28: {  	s14 =	sadd.s32 $0x8400, s14;
	p0 =	por !p0, !p0;
	s31 =	sadd.s32 s16, s5;
	[tilespmem:v0+s15+$0x10 ss:$0x1] =	vst.idx.msk $0xffff, v63  }
0x29: {  	[hbm4b:s31+s2] =	stream.linear.scatter [tilespmem:s14], [sflag:s13], $0x4000, $0x38;
	[tilespmem:$0x10400] =	vst v63  }
0x2a: {  	s11 =	sadd.s32 $0x1, s11  }
0x2b: {  	_ =	swait.ge [sflag:s9], $0x4000;
	p0 =	sne.s32 s11, s6  }
.Ltmp2:
0x2c: {  	[sflag:s9] =	ssyncset.done $0x0;
	(pc) =	sbr.rel @p0 .LBB2_1-.Ltmp2, $4  }
0x2d: {  	[sflag:s9] =	ssyncadd.s32 $0xFFFFC000  }
0x2e: {  	_ =	swait.ge [sflag:s10], $0x4000  }
0x2f: {  	[sflag:s10] =	ssyncset.done $0x0  }
0x30: {  	[sflag:s10] =	ssyncadd.s32 $0xFFFFC000  }
0x31: {  	_ =	sfence.sel $0x180000  }
0x32: {  	[bflag:$0x0] =	sbarrier.arrive $0xFFFF  }
0x33: {  	p0 =	sne.s32 s1, $0x0;
	_ =	strace $0x9000004D  }
0x34: {  	s0 =	sadd.s32 @!p0 $0x100000, s0;
	[bflag:$0x2] =	sbarrier.arrive $0xFFFF  }
0x35: {  	[sflag:s0] =	ssyncadd.tile.s32 @!p0 $0x1;
	_ =	shalt  }
.Lfunc_end2:
_tile_overlayer_lowered:
.L_overlay_start_2:
0x36: {  	(tag) =	ssettag $0x2  }
0x37: {  	s0 =	rddreg [dreg:$0x0];
	s2 =	stileid.u32  }
0x38: {  	s1 =	rddreg [dreg:$0x1];
	p0 =	sne.s32 s2, $0x0  }
0x39: {  	s3 =	rddreg [dreg:$0x2];
	[bflag:$0x3] =	sbarrier.arrive $0xFFFF;
	s2 =	simm.s32 @!p0 $0x1C05  }
0x3a: {  	[timem:s3], [sflag:s2] =	dma.local @!p0 [hbm:s0], s1  }
0x3b: {  	s0 =	simm.s32 @!p0 $0x5  }
0x3c: {  	_ =	swait.ge @!p0 [sflag:s0], s1  }
0x3d: {  	s1 =	ssub.s32 @!p0 $0x0, s1;
	[sflag:s0] =	ssyncset.done @!p0 $0x0  }
0x3e: {  	[sflag:s0] =	ssyncadd.s32 @!p0 s1  }
0x3f: {  	[bflag:$0x3] =	sbarrier.arrive $0xFFFF  }
0x40: {  	_ =	shalt  }

// kernel: kernel.19.cloned.1.call-start
scs
__scs_entry_jumppad:
0x0: {  	(pc) =	sbr.rel $0x88, $3  }
0x1: {  	(tag) =	ssettag $0x0;
	lr =	simm.s32 $0x1  }
0x2: {  	[smem:$0x3F9D] =	sst lr;
	_ =	strace $0xD0000000  }
0x3: {  	_ = 	snop  }
0x4: {  	_ = 	snop  }
0x5: {  	_ = 	snop  }
0x6: {  	_ = 	snop  }
0x7: {  	_ = 	snop  }
__scs_overlays_trampoline_lowered:
0x8: {  	[smem:$0x3FAC] =	sst s0  }
0x9: {  	[smem:$0x3FAD] =	sst s1  }
0xa: {  	[smem:$0x3FAE] =	sst s2  }
0xb: {  	[smem:$0x3FAF] =	sst s3  }
0xc: {  	[smem:$0x3FB0] =	sst s4  }
0xd: {  	[smem:$0x3FB1] =	sst s5  }
0xe: {  	[smem:$0x3FB2] =	sst s6  }
0xf: {  	[smem:$0x3FB3] =	sst s7  }
0x10: {  	[smem:$0x3FB4] =	sst s8  }
0x11: {  	[smem:$0x3FB5] =	sst s9;
	s0 =	simm.s32 @!p0 $0x0  }
0x12: {  	s1 =	sld [smem:$0x3F9B];
	s0 =	simm.s32 @p0 $0x1  }
0x13: {  	[smem:$0x3FB6] =	sst s0;
	s0 =	simm.s32 @!p1 $0x0  }
0x14: {  	s2 =	sld [smem:$0x3F9A];
	s0 =	simm.s32 @p1 $0x1  }
0x15: {  	[smem:$0x3FB7] =	sst s0;
	s0 =	simm.s32 @!p2 $0x0  }
0x16: {  	s3 =	sld [smem:$0x3FDB];
	s0 =	simm.s32 @p2 $0x1  }
0x17: {  	s4 =	simm.s32 $0x1BF5;
	[smem:$0x3FB9] =	sst s0  }
0x18: {  	s0 =	sld [smem:$0x3F9C];
	_ =	swait.ge [sflag:s4], $0x0  }
0x19: {  	s7 =	sld [smem:$0x3F9D]  }
0x1a: {  	s8 =	sadd.s32 $0xFFFFE003, lr  }
0x1b: {  	s9 =	sadd.s32 $0xFFFFFEF7, lr;
	s5 =	simm.s32 $0xFFFFFFFF;
	p2 =	slt.u32 s8, $0xFFFFF086  }
0x1c: {  	p1 =	slt.u32 s9, $0xF7A;
	s5 =	simm.s32 @!p2 $0x0  }
0x1d: {  	s5 =	simm.s32 @p1 $0x1;
	p0 =	seq.s32 s7, s2  }
0x1e: {  	s7 =	smul.u32 @!p0 $0xF7A, s2;
	p2 =	seq.s32 @!p0 s5, $0x0  }
0x1f: {  	s9 =	smul.u32 $0xF7A, s1;
	s8 =	simm.s32 @!p0 $0x1BF5;
	p2 =	por !p2, p0  }
0x20: {  	[sflag:s8] =	ssyncset.s32 @!p0 $0xFFFFF086;
	s6 =	sadd.s32 @!p0 s3, s7;
	s7 =	simm.s32 @!p0 $0x108  }
0x21: {  	s3 =	sadd.s32 s3, s9;
	s6 =	sadd.s32 @!p0 $0x88, s6;
	s7 =	simm.s32 @p2 $0x1082  }
0x22: {  	[simem:s7], [sflag:s8] =	dma.local @!p0 [hbm:s6], $0xF7A  }
0x23: {  	s9 =	sor.u32 $0xD0000000, s2;
	s6 =	simm.s32 $0x108;
	_ =	swait.ge @!p0 [sflag:s8], $0x0  }
0x24: {  	s3 =	sadd.s32 $0x88, s3;
	s6 =	simm.s32 @!p1 $0x1082;
	[sflag:s4] =	ssyncset.s32 $0xFFFFF086  }
0x25: {  	[simem:s6], [sflag:s4] =	dma.local [hbm:s3], $0xF7A  }
0x26: {  	[smem:$0x3F9D] =	sst s1;
	(tag) =	ssettag s2;
	_ =	strace s9  }
0x27: {  	s1 =	sld [smem:$0x3FAD]  }
0x28: {  	s2 =	sld [smem:$0x3FAE]  }
0x29: {  	s4 =	sld [smem:$0x3FB0]  }
0x2a: {  	p0 =	seq.s32 s5, $0x0;
	s5 =	sld [smem:$0x3FB1]  }
0x2b: {  	s6 =	sld [smem:$0x3FB2]  }
0x2c: {  	s7 =	sld [smem:$0x3FB3]  }
0x2d: {  	s3 =	simm.s32 $0x108;
	s8 =	sld [smem:$0x3FB4]  }
0x2e: {  	s3 =	simm.s32 @!p0 $0x1082;
	s9 =	sld [smem:$0x3FB5]  }
0x2f: {  	lr =	sadd.s32 s0, s3;
	s0 =	sld [smem:$0x3FAC]  }
0x30: {  	s3 =	sld [smem:$0x3FAF]  }
0x31: {  	[smem:$0x3FB8] =	sst s10  }
0x32: {  	s10 =	sld [smem:$0x3FB6];
	_ =	sdelay $0x3  }
0x33: {  	p0 =	seq.s32 s10, $0x1;
	s10 =	sld [smem:$0x3FB8];
	_ =	sdelay $0x3  }
0x34: {  	[smem:$0x3FB8] =	sst s10  }
0x35: {  	s10 =	sld [smem:$0x3FB7];
	_ =	sdelay $0x3  }
0x36: {  	p1 =	seq.s32 s10, $0x1;
	s10 =	sld [smem:$0x3FB8];
	_ =	sdelay $0x3  }
0x37: {  	[smem:$0x3FB8] =	sst s10  }
0x38: {  	s10 =	sld [smem:$0x3FB9]  }
0x39: {  	_ = 	snop;
	(pc) =	sbr.ind lr, $3  }
0x3a: {  	_ = 	snop  }
0x3b: {  	_ = 	snop  }
0x3c: {  	p2 =	seq.s32 s10, $0x1;
	s10 =	sld [smem:$0x3FB8]  }
0x3d: {  	_ =	shalt  }
0x3e: {  	_ =	shalt  }
0x3f: {  	_ =	shalt  }
0x40: {  	_ =	shalt  }
0x41: {  	_ =	shalt  }
0x42: {  	_ =	shalt  }
0x43: {  	_ =	shalt  }
0x44: {  	_ =	shalt  }
0x45: {  	_ =	shalt  }
0x46: {  	_ =	shalt  }
0x47: {  	_ =	shalt  }
0x48: {  	_ =	shalt  }
0x49: {  	_ =	shalt  }
0x4a: {  	_ =	shalt  }
0x4b: {  	_ =	shalt  }
0x4c: {  	_ =	shalt  }
0x4d: {  	_ =	shalt  }
0x4e: {  	_ =	shalt  }
0x4f: {  	_ =	shalt  }
0x50: {  	_ =	shalt  }
0x51: {  	_ =	shalt  }
0x52: {  	_ =	shalt  }
0x53: {  	_ =	shalt  }
0x54: {  	_ =	shalt  }
0x55: {  	_ =	shalt  }
0x56: {  	_ =	shalt  }
0x57: {  	_ =	shalt  }
0x58: {  	_ =	shalt  }
0x59: {  	_ =	shalt  }
0x5a: {  	_ =	shalt  }
0x5b: {  	_ =	shalt  }
0x5c: {  	_ =	shalt  }
0x5d: {  	_ =	shalt  }
0x5e: {  	_ =	shalt  }
0x5f: {  	_ =	shalt  }
0x60: {  	_ =	shalt  }
0x61: {  	_ =	shalt  }
0x62: {  	_ =	shalt  }
0x63: {  	_ =	shalt  }
0x64: {  	_ =	shalt  }
0x65: {  	_ =	shalt  }
0x66: {  	_ =	shalt  }
0x67: {  	_ =	shalt  }
0x68: {  	_ =	shalt  }
0x69: {  	_ =	shalt  }
0x6a: {  	_ =	shalt  }
0x6b: {  	_ =	shalt  }
0x6c: {  	_ =	shalt  }
0x6d: {  	_ =	shalt  }
0x6e: {  	_ =	shalt  }
0x6f: {  	_ =	shalt  }
0x70: {  	_ =	shalt  }
0x71: {  	_ =	shalt  }
0x72: {  	_ =	shalt  }
0x73: {  	_ =	shalt  }
0x74: {  	_ =	shalt  }
0x75: {  	_ =	shalt  }
0x76: {  	_ =	shalt  }
0x77: {  	_ =	shalt  }
0x78: {  	_ =	shalt  }
0x79: {  	_ =	shalt  }
0x7a: {  	_ =	shalt  }
0x7b: {  	_ =	shalt  }
0x7c: {  	_ =	shalt  }
0x7d: {  	_ =	shalt  }
0x7e: {  	_ =	shalt  }
0x7f: {  	_ =	shalt  }
0x80: {  	_ =	shalt  }
0x81: {  	_ =	shalt  }
0x82: {  	_ =	shalt  }
0x83: {  	_ =	shalt  }
0x84: {  	_ =	shalt  }
0x85: {  	_ =	shalt  }
0x86: {  	_ =	shalt  }
0x87: {  	_ =	shalt  }
.Lfunc_end0:
.L_simem_size_0:
called_computation.3_lowered:
.L_overlay_start_0:
0x88: {  	s2 =	sld [smem:$0x3FD9]  }
0x89: {  	s3 =	sld [smem:$0x3FFE];
	_ =	sdelay $0x1  }
0x8a: {  	s1 =	srdreg.scid  }
0x8b: {  	s0 =	sand.u32 $0x1, s1  }
0x8c: {  	s17 =	sshll.u32 s0, $0xA;
	s2 =	sadd.s32 s3, s2  }
0x8d: {  	s2 =	sadd.s32 s2, s17  }
0x8e: {  	[smem:$0x3FC4] =	sst s2  }
0x8f: {  	_ = 	snop  }
0x90: {  	(tm) =	ssettm $0x1  }
0x91: {  	s18 =	sld [smem:$0x3FFB];
	_ =	sdelay $0x3  }
0x92: {  	_ =	strace s18  }
0x93: {  	s2 =	sld [smem:$0x3FFC];
	_ =	sdelay $0x3  }
0x94: {  	_ =	strace s2  }
0x95: {  	s2 =	sld [smem:$0x3FFD];
	_ =	sdelay $0x3  }
0x96: {  	_ =	strace s2  }
0x97: {  	_ =	strace $0x8FFFFFFF  }
0x98: {  	s19 =	sld [smem:$0x3FDB];
	_ =	sdelay $0x1  }
0x99: {  	s20 =	simm.s32 $_scs_section_size  }
0x9a: {  	s4 =	simm.s32 $_size__tile_overlayer_lowered;
	s5 =	simm.s32 $_tile_overlayer_lowered  }
0x9b: {  	s6 =	simm.s32 $0x1BFF;
	s21 =	sshll.u32 s5, $0x1;
	s3 =	sadd.s32 s20, s19  }
0x9c: {  	s22 =	simm.s32 $0x0;
	s4 =	sshll.u32 s4, $0x1;
	s5 =	sadd.s32 s21, s3  }
0x9d: {  	[timem:s22], [sflag:s6] =	dma.local [hbm:s5], s4  }
0x9e: {  	_ =	swait.ge [sflag:s6], s4  }
0x9f: {  	s4 =	ssub.s32 $0x0, s4;
	[sflag:s6] =	ssyncset.done $0x0  }
0xa0: {  	[sflag:s6] =	ssyncadd.s32 s4;
	_ =	sdelay $0x1  }
0xa1: {  	s23 =	simm.s32 $0x1B8B  }
0xa2: {  	_ =	swait.ge [sflag:s23], $0x1  }
0xa3: {  	[sflag:s23] =	ssyncset.done $0x0  }
0xa4: {  	[sflag:s23] =	ssyncadd.s32 $0xFFFFFFFF  }
0xa5: {  	s4 =	sld [smem:$0x0]  }
0xa6: {  	s5 =	sand.u32 $0xFFFFFFFE, s1  }
0xa7: {  	p0 =	sne.s32 s1, s5  }
0xa8: {  	s5 =	sshll.u32 @p0 s5, $0xE  }
0xa9: {  	s5 =	sadd.s32 @p0 $0x11B8D, s5;
	s6 =	sshll.u32 @p0 s4, $0x11  }
0xaa: {  	s5 =	sor.u32 @p0 s6, s5  }
0xab: {  	[sflag:s5] =	ssyncadd.remote.s32 @p0 $0x1;
	_ =	sdelay $0x1  }
0xac: {  	s5 =	simm.s32 @p0 $0x1B8D  }
0xad: {  	_ =	swait.eq @p0 [sflag:s5], $0x1  }
0xae: {  	[sflag:s5] =	ssyncadd.s32 @p0 $0xFFFFFFFF  }
0xaf: {  	s6 =	sshll.u32 @!p0 s1, $0xE  }
0xb0: {  	s6 =	sor.u32 @!p0 $0x4000, s6;
	s5 =	simm.s32 @!p0 $0x1B8D  }
0xb1: {  	s4 =	sshll.u32 @!p0 s4, $0x11;
	s6 =	sadd.s32 @!p0 $0x11B8D, s6;
	_ =	swait.eq @!p0 [sflag:s5], $0x1  }
0xb2: {  	s4 =	sor.u32 @!p0 s4, s6;
	[sflag:s5] =	ssyncadd.s32 @!p0 $0xFFFFFFFF  }
0xb3: {  	s25 =	simm.s32 $0x1B8E;
	s24 =	sld [smem:$0x3FFE];
	[sflag:s4] =	ssyncadd.remote.s32 @!p0 $0x1  }
0xb4: {  	s26 =	simm.s32 $execute0_lowered;
	[smem:$0x3FD2] =	sst s25  }
0xb5: {  	s5 =	sshll.u32 s26, $0x1;
	_ =	strace $0x8000004F;
	[dreg:$0x1] =	wrdreg $0xFFFFFFFF  }
0xb6: {  	s28 =	simm.s32 $_size_execute0_lowered;
	s3 =	sadd.s32 s3, s5;
	[dreg:$0x0] =	wrdreg $0x0  }
0xb7: {  	s5 =	sshll.u32 s28, $0x1;
	[dreg:$0x2] =	wrdreg s3  }
0xb8: {  	[dreg:$0x3] =	wrdreg s5  }
0xb9: {  	[dreg:$0x4] =	wrdreg $0xC0  }
0xba: {  	_ =	task [dreg:s22], $0x5FFFF  }
0xbb: {  	[dreg:$0x1] =	wrdreg $0xFFFFFFFF  }
0xbc: {  	[dreg:$0x0] =	wrdreg $0x60  }
0xbd: {  	[dreg:$0x2] =	wrdreg s24  }
0xbe: {  	[dreg:$0x3] =	wrdreg $0xC  }
0xbf: {  	_ =	task.clear_ibuf [dreg:s22], $0x4FFFF;
	_ =	strace $0x9000004F  }
0xc0: {  	s29 =	simm.s32 $0xC;
	_ =	strace $0x80000051  }
0xc1: {  	_ =	swait.ge [sflag:s29], $0x1  }
0xc2: {  	[sflag:s29] =	ssyncadd.s32 $0xFFFFFFFF  }
0xc3: {  	_ =	strace $0x90000051  }
0xc4: {  	_ =	sfence  }
0xc5: {  	s30 =	sld [smem:$0x0];
	_ =	sdelay $0x2  }
0xc6: {  	s31 =	sshll.u32 s1, $0xD;
	s1 =	sshrl.u32 s1, $0x2  }
0xc7: {  	s4 =	sand.u32 $0x4000, s31;
	s1 =	sadd.s32 s1, s30  }
0xc8: {  	s0 =	sor.u32 s4, s0;
	s1 =	sshll.u32 s1, $0x11  }
0xc9: {  	s0 =	sor.u32 s1, s0  }
0xca: {  	s0 =	sadd.s32 $0x8F2B, s0  }
0xcb: {  	[sflag:s0] =	ssyncadd.remote.s32 $0x1  }
0xcc: {  	_ =	sfence.sel $0xFFFF  }
0xcd: {  	[dreg:$0x0] =	wrdreg $0xFFFFFFFF;
	(pc) =	sbr.abs _section_cstart, $3  }
0xce: {  	[dreg:$0x1] =	wrdreg $0xFFFFFFFF  }
0xcf: {  	_ =	task.clear_ibuf [dreg:s22], $0x2FFFF;
	_ =	strace $0x9FFFFFFF  }
0xd0: {  	(tm) =	ssettm $0x7FFFFFFF  }
0xd1: {  	_ =	shalt  }
tec
execute0_lowered:
.L_overlay_start_1:
0x0: {  	(tag) =	ssettag $0x1  }
0x1: {  	s4 =	rddreg [dreg:$0x0]  }
0x2: {  	s0 =	rddreg [dreg:$0x1];
	s3 =	srdreg.scid  }
0x3: {  	s1 =	stileid.u32;
	s2 =	simm.s32 $0x0;
	s9 =	simm.s32 $0x3  }
0x4: {  	s10 =	simm.s32 $0x4;
	s11 =	simm.s32 $0x0;
	s5 =	sand.u32 $0x1, s3  }
0x5: {  	s30 =	sshll.u32 s1, $0x1;
	[smem:$0x7FF] =	sst s2;
	s3 =	sadd.s32 $0x1E00, s4  }
0x6: {  	s8 =	sshll.u32 s1, $0x10;
	s6 =	sor.u32 s5, s30;
	_ =	strace $0x80000050  }
0x7: {  	s5 =	ssub.s32 $0x2, s5;
	s8 =	sand.u32 $0xC0000, s8;
	s7 =	sshll.u32 s6, $0xF  }
0x8: {  	s6 =	sshll.u32 s6, $0x8;
	s31 =	sshrl.u32 s5, $0x1;
	s7 =	sand.u32 $0x38000, s7  }
0x9: {  	s7 =	sadd.s32 s7, s4;
	s4 =	sadd.s32 s6, s4;
	s6 =	ssub.s32 s5, s31  }
0xa: {  	s7 =	sadd.s32 s8, s7;
	s4 =	sadd.s32 $0xC7600, s4;
	s6 =	smax.u32 s6, $0x1  }
0xb: {  	s8 =	simm.s32 $0x80;
	s5 =	sadd.s32 $0xC9600, s7;
	s7 =	simm.s32 $0x5  }
.LBB2_1:
0xc: {  	[tilespmem:s2], [sflag:$0x5] =	stream.linear.gather [hbm4b:s4+s2], $0x800, $0x38;
	[tilespmem:$0x10800] =	vst v63  }
0xd: {  	_ =	swait.ge [sflag:s7], $0x800  }
0xe: {  	[sflag:s7] =	ssyncset.done $0x0  }
0xf: {  	p0 =	por $0x0, $0x0;
	s12 =	simm.s32 $0x0;
	[sflag:s7] =	ssyncadd.s32 $0xFFFFF800  }
.LBB2_2:
0x10: {  	s13 =	sand.u32 $0x1, s12;
	p1 =	slt.u32 s12, $0x2  }
0x11: {  	s15 =	simm.s32 $0x1;
	s14 =	sadd.s32 @!p1 $0x3, s13  }
0x12: {  	s15 =	simm.s32 @!p0 $0x0;
	_ =	swait.ge @!p1 [sflag:s14], $0x4000  }
0x13: {  	s16 =	sshll.u32 s12, $0x7;
	s15 =	sshll.u32 s15, $0xE;
	[sflag:s14] =	ssyncset.done @!p1 $0x0  }
0x14: {  	s31 =	sor.u32 $0x800, s15;
	[sflag:s14] =	ssyncadd.s32 @!p1 $0xFFFFC000;
	s14 =	sshll.u32 s13, $0xE  }
0x15: {  	s16 =	sand.u32 $0x3FFFFF80, s16;
	s18 =	sadd.s32 $0x1, s13;
	v1 =	vmov s31;
	s17 =	sor.u32 $0x800, s14  }
0x16: {  	[tilespmem:s17], [sflag:s18] =	stream.indirect.gather [hbm4b:s3+s8], $0x80, s16, s8, $0xb8;
	[tilespmem:$0x10800] =	vst v63  }
0x17: {  	_ =	swait.ge [sflag:s18], $0x4000  }
0x18: {  	s15 =	sor.u32 $0x8800, s15;
	[sflag:s18] =	ssyncset.done $0x0  }
0x19: {  	v0 =	vmov s15;
	s15 =	simm.s32 $0x0;
	s16 =	simm.s32 $0x200;
	[sflag:s18] =	ssyncadd.s32 $0xFFFFC000  }
.LBB2_3:
0x1a: {  	p1 =	sne.s32 s16, $0xFE00;
	v2 =	vld.idx.msk [tilespmem:v1+s15+$0x0 ss:$0x1], $0xffff;
	_ =	sdelay $0x5  }
0x1b: {  	[tilespmem:v0+s15+$0x0 ss:$0x1] =	vst.idx.msk $0xffff, v2  }
0x1c: {  	v2 =	vld.idx.msk [tilespmem:v1+s15+$0x10 ss:$0x1], $0xffff;
	_ =	sdelay $0x1  }
.Ltmp0:
0x1d: {  	(pc) =	sbr.rel @p1 .LBB2_3-.Ltmp0, $2  }
0x1e: {  	_ =	sdelay $0x2  }
0x1f: {  	[tilespmem:v0+s15+$0x10 ss:$0x1] =	vst.idx.msk $0xffff, v2;
	s15 =	sshra.s32 s16, $0x2;
	s16 =	sadd.s32 $0x200, s16  }
0x20: {  	_ =	sdelay $0x3  }
0x21: {  	v2 =	vld.idx.msk [tilespmem:v1+s15+$0x0 ss:$0x1], $0xffff;
	_ =	sdelay $0x4  }
0x22: {  	[tilespmem:v0+s15+$0x0 ss:$0x1] =	vst.idx.msk $0xffff, v2  }
0x23: {  	s16 =	sshll.u32 s12, $0xB;
	s12 =	sadd.s32 $0x1, s12;
	v63 =	vld.idx.msk [tilespmem:v1+s15+$0x10 ss:$0x1], $0xffff  }
0x24: {  	p1 =	sne.s32 s12, $0x10  }
.Ltmp1:
0x25: {  	_ = 	snop;
	(pc) =	sbr.rel @p1 .LBB2_2-.Ltmp1, $4  }
0x26: {  	_ = 	snop  }
0x27: {  	s13 =	sadd.s32 $0x3, s13  }
0x28: {  	s14 =	sadd.s32 $0x8800, s14;
	p0 =	por !p0, !p0;
	s31 =	sadd.s32 s16, s5;
	[tilespmem:v0+s15+$0x10 ss:$0x1] =	vst.idx.msk $0xffff, v63  }
0x29: {  	[hbm4b:s31+s2] =	stream.linear.scatter [tilespmem:s14], [sflag:s13], $0x4000, $0x38;
	[tilespmem:$0x10800] =	vst v63  }
0x2a: {  	s11 =	sadd.s32 $0x1, s11  }
0x2b: {  	_ =	swait.ge [sflag:s9], $0x4000;
	p0 =	sne.s32 s11, s6  }
.Ltmp2:
0x2c: {  	[sflag:s9] =	ssyncset.done $0x0;
	(pc) =	sbr.rel @p0 .LBB2_1-.Ltmp2, $4  }
0x2d: {  	[sflag:s9] =	ssyncadd.s32 $0xFFFFC000  }
0x2e: {  	_ =	swait.ge [sflag:s10], $0x4000  }
0x2f: {  	[sflag:s10] =	ssyncset.done $0x0  }
0x30: {  	[sflag:s10] =	ssyncadd.s32 $0xFFFFC000  }
0x31: {  	_ =	sfence.sel $0x180000  }
0x32: {  	[bflag:$0x0] =	sbarrier.arrive $0xFFFF  }
0x33: {  	p0 =	sne.s32 s1, $0x0;
	_ =	strace $0x90000050  }
0x34: {  	s0 =	sadd.s32 @!p0 $0x100000, s0;
	[bflag:$0x2] =	sbarrier.arrive $0xFFFF  }
0x35: {  	[sflag:s0] =	ssyncadd.tile.s32 @!p0 $0x1;
	_ =	shalt  }
.Lfunc_end2:
_tile_overlayer_lowered:
.L_overlay_start_2:
0x36: {  	(tag) =	ssettag $0x2  }
0x37: {  	s0 =	rddreg [dreg:$0x0];
	s2 =	stileid.u32  }
0x38: {  	s1 =	rddreg [dreg:$0x1];
	p0 =	sne.s32 s2, $0x0  }
0x39: {  	s3 =	rddreg [dreg:$0x2];
	[bflag:$0x3] =	sbarrier.arrive $0xFFFF;
	s2 =	simm.s32 @!p0 $0x1C05  }
0x3a: {  	[timem:s3], [sflag:s2] =	dma.local @!p0 [hbm:s0], s1  }
0x3b: {  	s0 =	simm.s32 @!p0 $0x5  }
0x3c: {  	_ =	swait.ge @!p0 [sflag:s0], s1  }
0x3d: {  	s1 =	ssub.s32 @!p0 $0x0, s1;
	[sflag:s0] =	ssyncset.done @!p0 $0x0  }
0x3e: {  	[sflag:s0] =	ssyncadd.s32 @!p0 s1  }
0x3f: {  	[bflag:$0x3] =	sbarrier.arrive $0xFFFF  }
0x40: {  	_ =	shalt  }

</sc_bundles>
